<compile_context>
chip_gen: v7x
topology: tpu7x:2x2x1
jax: 0.10.2.dev20260603
libtpu: 0.0.44.dev20260713+nightly
codegen_flags: <defaults>
</compile_context>

<pallas_src>
import functools

import jax
import jax.numpy as jnp
from jax import lax
from jax.experimental import pallas as pl
from jax.experimental.pallas import tpu as pltpu
from jax.experimental.pallas import tpu_sc as plsc

N = 10000
E = 160000
D = 256
H = 256
O = 256

NC = 2
NS = 16
NW = NC * NS
CHUNK = 128
EP = 163840
NP = 10112

_mesh = plsc.VectorSubcoreMesh(
    core_axis_name="c", subcore_axis_name="s", num_cores=NC, num_subcores=NS
)


def _k1_body(x_ref, w1_ref, w2_ref, wl_ref, ba_ref, bl_ref,
             zs_ref, zd_ref, m0_ref, m1_ref):
    x = x_ref[...]
    zs_ref[...] = jnp.dot(x, w1_ref[...], preferred_element_type=jnp.float32)
    zd_ref[...] = (jnp.dot(x, w2_ref[...], preferred_element_type=jnp.float32)
                   + ba_ref[...])
    m = jnp.dot(x, wl_ref[...], preferred_element_type=jnp.float32) + bl_ref[...]
    m0_ref[...] = m[:, :128]
    m1_ref[...] = m[:, 128:]


_ROWS_BLK = 400

_k1_call = pl.pallas_call(
    _k1_body,
    grid=(N // _ROWS_BLK,),
    in_specs=[
        pl.BlockSpec((_ROWS_BLK, D), lambda i: (i, 0)),
        pl.BlockSpec((D, H), lambda i: (0, 0)),
        pl.BlockSpec((D, H), lambda i: (0, 0)),
        pl.BlockSpec((D, O), lambda i: (0, 0)),
        pl.BlockSpec((1, H), lambda i: (0, 0)),
        pl.BlockSpec((1, O), lambda i: (0, 0)),
    ],
    out_specs=[
        pl.BlockSpec((_ROWS_BLK, H), lambda i: (i, 0)),
        pl.BlockSpec((_ROWS_BLK, H), lambda i: (i, 0)),
        pl.BlockSpec((_ROWS_BLK, 128), lambda i: (i, 0)),
        pl.BlockSpec((_ROWS_BLK, 128), lambda i: (i, 0)),
    ],
    out_shape=[
        jax.ShapeDtypeStruct((N, H), jnp.float32),
        jax.ShapeDtypeStruct((N, H), jnp.float32),
        jax.ShapeDtypeStruct((N, 128), jnp.float32),
        jax.ShapeDtypeStruct((N, 128), jnp.float32),
    ],
)


def _k2_body(zs_hbm, zd_hbm, a_hbm, src_hbm, dst_hbm, e_hbm,
             a_v, idx_s, idx_d, zs_v, zd_v, e_v, acc_v, sem1, sem2):
    c = lax.axis_index("c")
    s = lax.axis_index("s")
    wid = s * NC + c
    per_w = EP // NW
    base_w = wid * per_w
    pltpu.sync_copy(a_hbm, a_v)
    avs = [a_v[pl.ds(16 * h, 16)] for h in range(16)]
    lanes = lax.iota(jnp.int32, 16)

    def chunk_body(k, carry):
        base = base_w + k * CHUNK
        pltpu.sync_copy(src_hbm.at[pl.ds(base, CHUNK)], idx_s)
        pltpu.sync_copy(dst_hbm.at[pl.ds(base, CHUNK)], idx_d)
        cp1 = pltpu.async_copy(zs_hbm.at[idx_s], zs_v, sem1)
        cp2 = pltpu.async_copy(zd_hbm.at[idx_d], zd_v, sem2)
        cp1.wait()
        cp2.wait()

        def group_body(g, gcarry):
            jbase = g * 16

            def edge_body(j, ecarry):
                e_i = jbase + j
                acc = jnp.zeros((16,), jnp.float32)
                for h in range(16):
                    z = (zs_v[e_i, pl.ds(16 * h, 16)]
                         + zd_v[e_i, pl.ds(16 * h, 16)])
                    t = jnp.maximum(z, 0.01 * z)
                    acc = acc + avs[h] * t
                plsc.store_scatter(acc_v, [j * 16 + lanes], acc)
                return ecarry

            lax.fori_loop(0, 16, edge_body, 0)
            s16 = jnp.zeros((16,), jnp.float32)
            for o in range(16):
                s16 = s16 + plsc.load_gather(acc_v, [lanes * 16 + o])
            plsc.store_scatter(e_v, [jbase + lanes], jnp.exp(s16))
            return gcarry

        lax.fori_loop(0, CHUNK // 16, group_body, 0)
        pltpu.sync_copy(e_v, e_hbm.at[pl.ds(base, CHUNK)])
        return carry

    lax.fori_loop(0, per_w // CHUNK, chunk_body, 0)


_sc_params = pltpu.CompilerParams(needs_layout_passes=False)

_k2_call = pl.kernel(
    _k2_body,
    out_type=[jax.ShapeDtypeStruct((EP,), jnp.float32)],
    mesh=_mesh,
    compiler_params=_sc_params,
    scratch_types=[
        pltpu.VMEM((H,), jnp.float32),
        pltpu.VMEM((CHUNK,), jnp.int32),
        pltpu.VMEM((CHUNK,), jnp.int32),
        pltpu.VMEM((CHUNK, H), jnp.float32),
        pltpu.VMEM((CHUNK, H), jnp.float32),
        pltpu.VMEM((CHUNK,), jnp.float32),
        pltpu.VMEM((256,), jnp.float32),
        pltpu.SemaphoreType.DMA,
        pltpu.SemaphoreType.DMA,
    ],
)


def _k3_body(m0_hbm, m1_hbm, e_hbm, src_hbm, dst_hbm, z2_hbm, z1_hbm,
             agg0_hbm, agg1_hbm, s_hbm,
             idx_s, idx_d, e_v, rows_v, agg_sh, s_sh, sem_g):
    c = lax.axis_index("c")
    s = lax.axis_index("s")
    rps = NP // NS
    pltpu.sync_copy(z2_hbm.at[pl.ds(s * rps, rps)],
                    agg_sh.at[pl.ds(s * rps, rps)])

    @pl.when(s == 0)
    def _():
        pltpu.sync_copy(z1_hbm, s_sh)

    plsc.subcore_barrier()

    eps = EP // NS

    def chunk_body(k, carry):
        base = s * eps + k * CHUNK
        pltpu.sync_copy(src_hbm.at[pl.ds(base, CHUNK)], idx_s)
        pltpu.sync_copy(dst_hbm.at[pl.ds(base, CHUNK)], idx_d)
        pltpu.sync_copy(e_hbm.at[pl.ds(base, CHUNK)], e_v)

        @pl.when(c == 0)
        def _():
            pltpu.async_copy(m0_hbm.at[idx_s], rows_v, sem_g).wait()

        @pl.when(c == 1)
        def _():
            pltpu.async_copy(m1_hbm.at[idx_s], rows_v, sem_g).wait()

        def edge_body(e_i, ecarry):
            ej = plsc.load_gather(e_v, [jnp.full((16,), e_i, jnp.int32)])
            for h in range(8):
                rows_v[e_i, pl.ds(16 * h, 16)] = (
                    rows_v[e_i, pl.ds(16 * h, 16)] * ej)
            return ecarry

        lax.fori_loop(0, CHUNK, edge_body, 0)
        pltpu.sync_copy(rows_v, agg_sh.at[idx_d], add=True)
        pltpu.sync_copy(e_v, s_sh.at[idx_d], add=True)
        return carry

    lax.fori_loop(0, eps // CHUNK, chunk_body, 0)
    plsc.subcore_barrier()

    @pl.when(c == 0)
    def _():
        pltpu.sync_copy(agg_sh.at[pl.ds(s * rps, rps)],
                        agg0_hbm.at[pl.ds(s * rps, rps)])

    @pl.when(c == 1)
    def _():
        pltpu.sync_copy(agg_sh.at[pl.ds(s * rps, rps)],
                        agg1_hbm.at[pl.ds(s * rps, rps)])

    @pl.when((c == 0) & (s == 0))
    def _():
        pltpu.sync_copy(s_sh, s_hbm)


_k3_call = pl.kernel(
    _k3_body,
    out_type=[
        jax.ShapeDtypeStruct((NP, 128), jnp.float32),
        jax.ShapeDtypeStruct((NP, 128), jnp.float32),
        jax.ShapeDtypeStruct((NP,), jnp.float32),
    ],
    mesh=_mesh,
    compiler_params=_sc_params,
    scratch_types=[
        pltpu.VMEM((CHUNK,), jnp.int32),
        pltpu.VMEM((CHUNK,), jnp.int32),
        pltpu.VMEM((CHUNK,), jnp.float32),
        pltpu.VMEM((CHUNK, 128), jnp.float32),
        pltpu.VMEM_SHARED((NP, 128), jnp.float32),
        pltpu.VMEM_SHARED((NP,), jnp.float32),
        pltpu.SemaphoreType.DMA,
    ],
)


def _k5_body(a0_ref, a1_ref, s_ref, out_ref):
    sv = s_ref[...]
    inv = jnp.where(sv > 0, 1.0 / sv, 0.0)
    out_ref[:, :128] = jnp.maximum(a0_ref[...], 0.0) * inv
    out_ref[:, 128:] = jnp.maximum(a1_ref[...], 0.0) * inv


_k5_call = pl.pallas_call(
    _k5_body,
    grid=(N // _ROWS_BLK,),
    in_specs=[
        pl.BlockSpec((_ROWS_BLK, 128), lambda i: (i, 0)),
        pl.BlockSpec((_ROWS_BLK, 128), lambda i: (i, 0)),
        pl.BlockSpec((_ROWS_BLK, 1), lambda i: (i, 0)),
    ],
    out_specs=pl.BlockSpec((_ROWS_BLK, O), lambda i: (i, 0)),
    out_shape=jax.ShapeDtypeStruct((N, O), jnp.float32),
)


def kernel(node_feats, edge_index, W_att, b_att, a_att, W_lin, b_lin):
    src = edge_index[0]
    dst = edge_index[1]
    pad = EP - E
    src_p = jnp.concatenate([src, jnp.zeros((pad,), jnp.int32)])
    dst_g = jnp.concatenate([dst, jnp.zeros((pad,), jnp.int32)])
    dst_s = jnp.concatenate([dst, jnp.full((pad,), N, jnp.int32)])

    w1t = W_att[:, :D].T
    w2t = W_att[:, D:].T
    wlt = W_lin.T
    zs, zd, m0, m1 = _k1_call(node_feats, w1t, w2t, wlt,
                              b_att.reshape(1, H), b_lin.reshape(1, O))

    (e,) = _k2_call(zs, zd, a_att.reshape(H), src_p, dst_g)

    z2 = jnp.zeros((NP, 128), jnp.float32)
    z1 = jnp.zeros((NP,), jnp.float32)
    agg0p, agg1p, sp = _k3_call(m0, m1, e, src_p, dst_s, z2, z1)

    sden = sp[:N].reshape(N, 1)
    return _k5_call(agg0p[:N], agg1p[:N], sden)

# --- scband reference (transcript-rebuilt; emitter-appended) ---
"""Pipeline reference for scband-gat-layer-50027779064056 (READ-ONLY COPY).

The authoritative reference and input builder live on the scoring server;
editing this copy changes nothing except your own understanding.
"""

import jax, jax.numpy as jnp
import numpy as np

N = 10000
E = 160000
D = 256   # in_node_feats
H = 256   # hidden_feats
O = 256   # out_feats


def setup_inputs(seed: int = 0) -> dict:
    key = jax.random.key(seed)
    ks = jax.random.split(key, 8)
    node_feats = jax.random.normal(ks[0], (N, D), dtype=jnp.float32)
    edge_index = jax.random.randint(ks[1], (2, E), 0, N, dtype=jnp.int32)
    # attention_W: Linear(2*D -> H)
    W_att = jax.random.normal(ks[2], (H, 2 * D), dtype=jnp.float32) * (1.0 / np.sqrt(2 * D))
    b_att = jnp.zeros((H,), dtype=jnp.float32)
    # attention_a: Linear(H -> 1, bias=False)
    a_att = jax.random.normal(ks[3], (1, H), dtype=jnp.float32) * (1.0 / np.sqrt(H))
    # linear: Linear(D -> O)
    W_lin = jax.random.normal(ks[4], (O, D), dtype=jnp.float32) * (1.0 / np.sqrt(D))
    b_lin = jnp.zeros((O,), dtype=jnp.float32)
    return {
        "node_feats": node_feats,
        "edge_index": edge_index,
        "W_att": W_att,
        "b_att": b_att,
        "a_att": a_att,
        "W_lin": W_lin,
        "b_lin": b_lin,
    }


def reference(node_feats, edge_index, W_att, b_att, a_att, W_lin, b_lin):
    src = edge_index[0]
    dst = edge_index[1]
    h_src = jnp.take(node_feats, src, axis=0)   # [E, D] gather
    h_dst = jnp.take(node_feats, dst, axis=0)   # [E, D] gather
    # calc_val: a(LeakyReLU(W(cat[src, dst])))
    z = jnp.concatenate([h_src, h_dst], axis=1) @ W_att.T + b_att   # [E, H]
    z = jax.nn.leaky_relu(z, negative_slope=0.01)
    val = (z @ a_att.T)[:, 0]                                       # [E]
    # edge_softmax over destination nodes (numerically stable)
    seg_max = jax.ops.segment_max(val, dst, num_segments=N)        # [N]
    e = jnp.exp(val - jnp.take(seg_max, dst, axis=0))              # [E]
    seg_sum = jax.ops.segment_sum(e, dst, num_segments=N)         # [N]
    alpha = e / jnp.take(seg_sum, dst, axis=0)                     # [E]
    # message: score * linear(h_src); reduce: sum over in-edges, then LeakyReLU
    msg = alpha[:, None] * (h_src @ W_lin.T + b_lin)               # [E, O]
    agg = jax.ops.segment_sum(msg, dst, num_segments=N)           # [N, O] scatter-add
    h = jax.nn.leaky_relu(agg, negative_slope=0.01)
    # activation (relu); dropout p=0.0 is identity; no batch_norm, no residual
    h = jax.nn.relu(h)
    return h

if __name__ == "__main__":
    import jax
    _d = setup_inputs()
    print(jax.jit(kernel)(*tuple(_d.values())))

</pallas_src>

<mosaic_0001>
#map = affine_map<(d0, d1) -> (0, 0)>
#map1 = affine_map<(d0, d1) -> (0)>
module attributes {stable_mosaic.version = 14 : i64} {
  func.func @_k3_body(%arg0: i32, %arg1: i32, %arg2: memref<10000x128xf32, #tpu.memory_space<hbm>>, %arg3: memref<10000x128xf32, #tpu.memory_space<hbm>>, %arg4: memref<163840xf32, #tpu.memory_space<hbm>>, %arg5: memref<163840xi32, #tpu.memory_space<hbm>>, %arg6: memref<163840xi32, #tpu.memory_space<hbm>>, %arg7: memref<10112x128xf32, #tpu.memory_space<hbm>>, %arg8: memref<10112xf32, #tpu.memory_space<hbm>>, %arg9: memref<10112x128xf32, #tpu.memory_space<hbm>>, %arg10: memref<10112x128xf32, #tpu.memory_space<hbm>>, %arg11: memref<10112xf32, #tpu.memory_space<hbm>>, %arg12: memref<128xi32, #tpu.memory_space<vmem>>, %arg13: memref<128xi32, #tpu.memory_space<vmem>>, %arg14: memref<128xf32, #tpu.memory_space<vmem>>, %arg15: memref<128x128xf32, #tpu.memory_space<vmem>>, %arg16: memref<10112x128xf32, #tpu.memory_space<vmem_shared>>, %arg17: memref<10112xf32, #tpu.memory_space<vmem_shared>>, %arg18: memref<!tpu.dma_semaphore, #tpu.memory_space<semaphore_mem>>) attributes {dimension_semantics = [#tpu.dimension_semantics<core_parallel>, #tpu.dimension_semantics<subcore_parallel>], iteration_bounds = array<i64: 2, 16>, scalar_prefetch = 0 : i64, scratch_operands = 7 : i64, tpu.core_type = #tpu.core_type<sc_vector_subcore>, window_params = [{transform_indices = #map}, {transform_indices = #map}, {transform_indices = #map1}, {transform_indices = #map1}, {transform_indices = #map1}, {transform_indices = #map}, {transform_indices = #map1}, {transform_indices = #map}, {transform_indices = #map}, {transform_indices = #map1}]} {
    %mul3A = arith.constant 632 : i32
    %mul3A_0 = arith.muli %arg1, %mul3A : i32
    %mul3A_1 = arith.constant 632 : i32
    %mul3A_2 = arith.muli %arg1, %mul3A_1 : i32
    "tpu.region"() ({
      %run_scoped3A = tpu.sem_alloc : memref<!tpu.dma_semaphore, #tpu.memory_space<semaphore_mem>>
      %dma_start3A = arith.constant 0 : i32
      %dma_start3A_28 = tpu.memref_slice %arg16[%mul3A_2, %dma_start3A] : memref<10112x128xf32, #tpu.memory_space<vmem_shared>> -> memref<632x128xf32, #tpu.memory_space<vmem_shared>>
      %dma_start3A_29 = arith.constant 0 : i32
      %dma_start3A_30 = tpu.memref_slice %arg7[%mul3A_0, %dma_start3A_29] : memref<10112x128xf32, #tpu.memory_space<hbm>> -> memref<632x128xf32, #tpu.memory_space<hbm>>
      tpu.enqueue_dma source(%dma_start3A_30 : memref<632x128xf32, #tpu.memory_space<hbm>>) target(%dma_start3A_28 : memref<632x128xf32, #tpu.memory_space<vmem_shared>>) target_semaphore(%run_scoped3A : memref<!tpu.dma_semaphore, #tpu.memory_space<semaphore_mem>>)
      %dma_wait3A = arith.constant 0 : i32
      %dma_wait3A_31 = tpu.memref_slice %arg16[%mul3A_2, %dma_wait3A] : memref<10112x128xf32, #tpu.memory_space<vmem_shared>> -> memref<632x128xf32, #tpu.memory_space<vmem_shared>>
      %dma_wait3A_32 = arith.constant 0 : i32
      %dma_wait3A_33 = tpu.memref_slice %arg7[%mul3A_0, %dma_wait3A_32] : memref<10112x128xf32, #tpu.memory_space<hbm>> -> memref<632x128xf32, #tpu.memory_space<hbm>>
      tpu.wait_dma2 semaphore(%run_scoped3A : memref<!tpu.dma_semaphore, #tpu.memory_space<semaphore_mem>>) src(%dma_wait3A_33 : memref<632x128xf32, #tpu.memory_space<hbm>>) dst(%dma_wait3A_31 : memref<632x128xf32, #tpu.memory_space<vmem_shared>>)
      tpu.yield
    }) : () -> ()
    %eq3A = arith.constant 0 : i32
    %eq3A_3 = arith.cmpi eq, %arg1, %eq3A : i32
    %convert_element_type3A = arith.extui %eq3A_3 : i1 to i32
    %cond3A = arith.constant 0 : i32
    %cond3A_4 = arith.cmpi ne, %convert_element_type3A, %cond3A : i32
    scf.if %cond3A_4 {
      "tpu.region"() ({
        %run_scoped3A = tpu.sem_alloc : memref<!tpu.dma_semaphore, #tpu.memory_space<semaphore_mem>>
        tpu.enqueue_dma source(%arg8 : memref<10112xf32, #tpu.memory_space<hbm>>) target(%arg17 : memref<10112xf32, #tpu.memory_space<vmem_shared>>) target_semaphore(%run_scoped3A : memref<!tpu.dma_semaphore, #tpu.memory_space<semaphore_mem>>)
        tpu.wait_dma2 semaphore(%run_scoped3A : memref<!tpu.dma_semaphore, #tpu.memory_space<semaphore_mem>>) src(%arg8 : memref<10112xf32, #tpu.memory_space<hbm>>) dst(%arg17 : memref<10112xf32, #tpu.memory_space<vmem_shared>>)
        tpu.yield
      }) : () -> ()
    } else {
    }
    %barrier3A = arith.constant 0 : index
    tpu.barrier barrier_id(%barrier3A)
    %scan3A = arith.constant 0 : i32
    %scan3A_5 = arith.constant 0 : i32
    %scan3A_6 = arith.constant 80 : i32
    %scan3A_7 = arith.addi %scan3A_5, %scan3A_6 : i32
    %scan3A_8 = arith.constant 1 : i32
    scf.for %scan3A_28 = %scan3A_5 to %scan3A_7 step %scan3A_8  : i32 {
      %mul3A_29 = arith.constant 10240 : i32
      %mul3A_30 = arith.muli %arg1, %mul3A_29 : i32
      %mul3A_31 = arith.constant 128 : i32
      %mul3A_32 = arith.muli %scan3A_28, %mul3A_31 : i32
      %add3A = arith.addi %mul3A_30, %mul3A_32 : i32
      "tpu.region"() ({
        %run_scoped3A = tpu.sem_alloc : memref<!tpu.dma_semaphore, #tpu.memory_space<semaphore_mem>>
        %dma_start3A = tpu.memref_slice %arg5[%add3A] : memref<163840xi32, #tpu.memory_space<hbm>> -> memref<128xi32, #tpu.memory_space<hbm>>
        %dma_start3A_49 = tpu.memref_slice %arg5[%add3A] : memref<163840xi32, #tpu.memory_space<hbm>> -> memref<128xi32, #tpu.memory_space<hbm>>
        tpu.enqueue_dma source(%dma_start3A_49 : memref<128xi32, #tpu.memory_space<hbm>>) target(%arg12 : memref<128xi32, #tpu.memory_space<vmem>>) target_semaphore(%run_scoped3A : memref<!tpu.dma_semaphore, #tpu.memory_space<semaphore_mem>>)
        %dma_wait3A = tpu.memref_slice %arg5[%add3A] : memref<163840xi32, #tpu.memory_space<hbm>> -> memref<128xi32, #tpu.memory_space<hbm>>
        %dma_wait3A_50 = tpu.memref_slice %arg5[%add3A] : memref<163840xi32, #tpu.memory_space<hbm>> -> memref<128xi32, #tpu.memory_space<hbm>>
        tpu.wait_dma2 semaphore(%run_scoped3A : memref<!tpu.dma_semaphore, #tpu.memory_space<semaphore_mem>>) src(%dma_wait3A_50 : memref<128xi32, #tpu.memory_space<hbm>>) dst(%arg12 : memref<128xi32, #tpu.memory_space<vmem>>)
        tpu.yield
      }) : () -> ()
      "tpu.region"() ({
        %run_scoped3A = tpu.sem_alloc : memref<!tpu.dma_semaphore, #tpu.memory_space<semaphore_mem>>
        %dma_start3A = tpu.memref_slice %arg6[%add3A] : memref<163840xi32, #tpu.memory_space<hbm>> -> memref<128xi32, #tpu.memory_space<hbm>>
        %dma_start3A_49 = tpu.memref_slice %arg6[%add3A] : memref<163840xi32, #tpu.memory_space<hbm>> -> memref<128xi32, #tpu.memory_space<hbm>>
        tpu.enqueue_dma source(%dma_start3A_49 : memref<128xi32, #tpu.memory_space<hbm>>) target(%arg13 : memref<128xi32, #tpu.memory_space<vmem>>) target_semaphore(%run_scoped3A : memref<!tpu.dma_semaphore, #tpu.memory_space<semaphore_mem>>)
        %dma_wait3A = tpu.memref_slice %arg6[%add3A] : memref<163840xi32, #tpu.memory_space<hbm>> -> memref<128xi32, #tpu.memory_space<hbm>>
        %dma_wait3A_50 = tpu.memref_slice %arg6[%add3A] : memref<163840xi32, #tpu.memory_space<hbm>> -> memref<128xi32, #tpu.memory_space<hbm>>
        tpu.wait_dma2 semaphore(%run_scoped3A : memref<!tpu.dma_semaphore, #tpu.memory_space<semaphore_mem>>) src(%dma_wait3A_50 : memref<128xi32, #tpu.memory_space<hbm>>) dst(%arg13 : memref<128xi32, #tpu.memory_space<vmem>>)
        tpu.yield
      }) : () -> ()
      "tpu.region"() ({
        %run_scoped3A = tpu.sem_alloc : memref<!tpu.dma_semaphore, #tpu.memory_space<semaphore_mem>>
        %dma_start3A = tpu.memref_slice %arg4[%add3A] : memref<163840xf32, #tpu.memory_space<hbm>> -> memref<128xf32, #tpu.memory_space<hbm>>
        %dma_start3A_49 = tpu.memref_slice %arg4[%add3A] : memref<163840xf32, #tpu.memory_space<hbm>> -> memref<128xf32, #tpu.memory_space<hbm>>
        tpu.enqueue_dma source(%dma_start3A_49 : memref<128xf32, #tpu.memory_space<hbm>>) target(%arg14 : memref<128xf32, #tpu.memory_space<vmem>>) target_semaphore(%run_scoped3A : memref<!tpu.dma_semaphore, #tpu.memory_space<semaphore_mem>>)
        %dma_wait3A = tpu.memref_slice %arg4[%add3A] : memref<163840xf32, #tpu.memory_space<hbm>> -> memref<128xf32, #tpu.memory_space<hbm>>
        %dma_wait3A_50 = tpu.memref_slice %arg4[%add3A] : memref<163840xf32, #tpu.memory_space<hbm>> -> memref<128xf32, #tpu.memory_space<hbm>>
        tpu.wait_dma2 semaphore(%run_scoped3A : memref<!tpu.dma_semaphore, #tpu.memory_space<semaphore_mem>>) src(%dma_wait3A_50 : memref<128xf32, #tpu.memory_space<hbm>>) dst(%arg14 : memref<128xf32, #tpu.memory_space<vmem>>)
        tpu.yield
      }) : () -> ()
      %eq3A_33 = arith.constant 0 : i32
      %eq3A_34 = arith.cmpi eq, %arg0, %eq3A_33 : i32
      %convert_element_type3A_35 = arith.extui %eq3A_34 : i1 to i32
      %cond3A_36 = arith.constant 0 : i32
      %cond3A_37 = arith.cmpi ne, %convert_element_type3A_35, %cond3A_36 : i32
      scf.if %cond3A_37 {
        %dma_start3A = arith.constant 0 : i32
        %dma_start3A_49 = arith.constant 0 : i32
        %dma_start3A_50 = tpu.memref_slice %arg2[%dma_start3A, %dma_start3A_49] : memref<10000x128xf32, #tpu.memory_space<hbm>> -> memref<10000x128xf32, #tpu.memory_space<hbm>>
        tpu.enqueue_indirect_dma source(%dma_start3A_50 : memref<10000x128xf32, #tpu.memory_space<hbm>>) target(%arg15 : memref<128x128xf32, #tpu.memory_space<vmem>>) offsets(%arg12 : memref<128xi32, #tpu.memory_space<vmem>>) semaphore(%arg18 : memref<!tpu.dma_semaphore, #tpu.memory_space<semaphore_mem>>)
        %dma_wait3A = arith.constant 0 : i32
        %dma_wait3A_51 = arith.constant 0 : i32
        %dma_wait3A_52 = tpu.memref_slice %arg2[%dma_wait3A, %dma_wait3A_51] : memref<10000x128xf32, #tpu.memory_space<hbm>> -> memref<10000x128xf32, #tpu.memory_space<hbm>>
        tpu.wait_indirect_dma semaphore(%arg18 : memref<!tpu.dma_semaphore, #tpu.memory_space<semaphore_mem>>) src(%dma_wait3A_52 : memref<10000x128xf32, #tpu.memory_space<hbm>>) dst(%arg15 : memref<128x128xf32, #tpu.memory_space<vmem>>)
      } else {
      }
      %eq3A_38 = arith.constant 1 : i32
      %eq3A_39 = arith.cmpi eq, %arg0, %eq3A_38 : i32
      %convert_element_type3A_40 = arith.extui %eq3A_39 : i1 to i32
      %cond3A_41 = arith.constant 0 : i32
      %cond3A_42 = arith.cmpi ne, %convert_element_type3A_40, %cond3A_41 : i32
      scf.if %cond3A_42 {
        %dma_start3A = arith.constant 0 : i32
        %dma_start3A_49 = arith.constant 0 : i32
        %dma_start3A_50 = tpu.memref_slice %arg3[%dma_start3A, %dma_start3A_49] : memref<10000x128xf32, #tpu.memory_space<hbm>> -> memref<10000x128xf32, #tpu.memory_space<hbm>>
        tpu.enqueue_indirect_dma source(%dma_start3A_50 : memref<10000x128xf32, #tpu.memory_space<hbm>>) target(%arg15 : memref<128x128xf32, #tpu.memory_space<vmem>>) offsets(%arg12 : memref<128xi32, #tpu.memory_space<vmem>>) semaphore(%arg18 : memref<!tpu.dma_semaphore, #tpu.memory_space<semaphore_mem>>)
        %dma_wait3A = arith.constant 0 : i32
        %dma_wait3A_51 = arith.constant 0 : i32
        %dma_wait3A_52 = tpu.memref_slice %arg3[%dma_wait3A, %dma_wait3A_51] : memref<10000x128xf32, #tpu.memory_space<hbm>> -> memref<10000x128xf32, #tpu.memory_space<hbm>>
        tpu.wait_indirect_dma semaphore(%arg18 : memref<!tpu.dma_semaphore, #tpu.memory_space<semaphore_mem>>) src(%dma_wait3A_52 : memref<10000x128xf32, #tpu.memory_space<hbm>>) dst(%arg15 : memref<128x128xf32, #tpu.memory_space<vmem>>)
      } else {
      }
      %scan3A_43 = arith.constant 0 : i32
      %scan3A_44 = arith.constant 0 : i32
      %scan3A_45 = arith.constant 128 : i32
      %scan3A_46 = arith.addi %scan3A_44, %scan3A_45 : i32
      %scan3A_47 = arith.constant 1 : i32
      scf.for %scan3A_49 = %scan3A_44 to %scan3A_46 step %scan3A_47  : i32 {
        %broadcast_in_dim3A = vector.broadcast %scan3A_49 : i32 to vector<16xi32>
        %gather3A = tpu.vector_load_idx %arg14[%broadcast_in_dim3A] : memref<128xf32, #tpu.memory_space<vmem>>[vector<16xi32>], vector<16xf32>,
        %get3A = arith.index_cast %scan3A_49 : i32 to index
        %get3A_50 = arith.constant 0 : index
        %get3A_51 = tpu.vector_load %arg15[%get3A, %get3A_50] {strides = array<i32>} : memref<128x128xf32, #tpu.memory_space<vmem>>, vector<16xf32>,
        %mul3A_52 = arith.mulf %get3A_51, %gather3A : vector<16xf32>
        %swap3A = arith.index_cast %scan3A_49 : i32 to index
        %swap3A_53 = arith.constant 0 : index
        %swap3A_54 = tpu.vector_load %arg15[%swap3A, %swap3A_53] {strides = array<i32>} : memref<128x128xf32, #tpu.memory_space<vmem>>, vector<16xf32>,
        tpu.vector_store %arg15[%swap3A, %swap3A_53], %mul3A_52 {strides = array<i32>} : memref<128x128xf32, #tpu.memory_space<vmem>>, vector<16xf32>,
        %get3A_55 = arith.index_cast %scan3A_49 : i32 to index
        %get3A_56 = arith.constant 16 : index
        %get3A_57 = tpu.vector_load %arg15[%get3A_55, %get3A_56] {strides = array<i32>} : memref<128x128xf32, #tpu.memory_space<vmem>>, vector<16xf32>,
        %mul3A_58 = arith.mulf %get3A_57, %gather3A : vector<16xf32>
        %swap3A_59 = arith.index_cast %scan3A_49 : i32 to index
        %swap3A_60 = arith.constant 16 : index
        %swap3A_61 = tpu.vector_load %arg15[%swap3A_59, %swap3A_60] {strides = array<i32>} : memref<128x128xf32, #tpu.memory_space<vmem>>, vector<16xf32>,
        tpu.vector_store %arg15[%swap3A_59, %swap3A_60], %mul3A_58 {strides = array<i32>} : memref<128x128xf32, #tpu.memory_space<vmem>>, vector<16xf32>,
        %get3A_62 = arith.index_cast %scan3A_49 : i32 to index
        %get3A_63 = arith.constant 32 : index
        %get3A_64 = tpu.vector_load %arg15[%get3A_62, %get3A_63] {strides = array<i32>} : memref<128x128xf32, #tpu.memory_space<vmem>>, vector<16xf32>,
        %mul3A_65 = arith.mulf %get3A_64, %gather3A : vector<16xf32>
        %swap3A_66 = arith.index_cast %scan3A_49 : i32 to index
        %swap3A_67 = arith.constant 32 : index
        %swap3A_68 = tpu.vector_load %arg15[%swap3A_66, %swap3A_67] {strides = array<i32>} : memref<128x128xf32, #tpu.memory_space<vmem>>, vector<16xf32>,
        tpu.vector_store %arg15[%swap3A_66, %swap3A_67], %mul3A_65 {strides = array<i32>} : memref<128x128xf32, #tpu.memory_space<vmem>>, vector<16xf32>,
        %get3A_69 = arith.index_cast %scan3A_49 : i32 to index
        %get3A_70 = arith.constant 48 : index
        %get3A_71 = tpu.vector_load %arg15[%get3A_69, %get3A_70] {strides = array<i32>} : memref<128x128xf32, #tpu.memory_space<vmem>>, vector<16xf32>,
        %mul3A_72 = arith.mulf %get3A_71, %gather3A : vector<16xf32>
        %swap3A_73 = arith.index_cast %scan3A_49 : i32 to index
        %swap3A_74 = arith.constant 48 : index
        %swap3A_75 = tpu.vector_load %arg15[%swap3A_73, %swap3A_74] {strides = array<i32>} : memref<128x128xf32, #tpu.memory_space<vmem>>, vector<16xf32>,
        tpu.vector_store %arg15[%swap3A_73, %swap3A_74], %mul3A_72 {strides = array<i32>} : memref<128x128xf32, #tpu.memory_space<vmem>>, vector<16xf32>,
        %get3A_76 = arith.index_cast %scan3A_49 : i32 to index
        %get3A_77 = arith.constant 64 : index
        %get3A_78 = tpu.vector_load %arg15[%get3A_76, %get3A_77] {strides = array<i32>} : memref<128x128xf32, #tpu.memory_space<vmem>>, vector<16xf32>,
        %mul3A_79 = arith.mulf %get3A_78, %gather3A : vector<16xf32>
        %swap3A_80 = arith.index_cast %scan3A_49 : i32 to index
        %swap3A_81 = arith.constant 64 : index
        %swap3A_82 = tpu.vector_load %arg15[%swap3A_80, %swap3A_81] {strides = array<i32>} : memref<128x128xf32, #tpu.memory_space<vmem>>, vector<16xf32>,
        tpu.vector_store %arg15[%swap3A_80, %swap3A_81], %mul3A_79 {strides = array<i32>} : memref<128x128xf32, #tpu.memory_space<vmem>>, vector<16xf32>,
        %get3A_83 = arith.index_cast %scan3A_49 : i32 to index
        %get3A_84 = arith.constant 80 : index
        %get3A_85 = tpu.vector_load %arg15[%get3A_83, %get3A_84] {strides = array<i32>} : memref<128x128xf32, #tpu.memory_space<vmem>>, vector<16xf32>,
        %mul3A_86 = arith.mulf %get3A_85, %gather3A : vector<16xf32>
        %swap3A_87 = arith.index_cast %scan3A_49 : i32 to index
        %swap3A_88 = arith.constant 80 : index
        %swap3A_89 = tpu.vector_load %arg15[%swap3A_87, %swap3A_88] {strides = array<i32>} : memref<128x128xf32, #tpu.memory_space<vmem>>, vector<16xf32>,
        tpu.vector_store %arg15[%swap3A_87, %swap3A_88], %mul3A_86 {strides = array<i32>} : memref<128x128xf32, #tpu.memory_space<vmem>>, vector<16xf32>,
        %get3A_90 = arith.index_cast %scan3A_49 : i32 to index
        %get3A_91 = arith.constant 96 : index
        %get3A_92 = tpu.vector_load %arg15[%get3A_90, %get3A_91] {strides = array<i32>} : memref<128x128xf32, #tpu.memory_space<vmem>>, vector<16xf32>,
        %mul3A_93 = arith.mulf %get3A_92, %gather3A : vector<16xf32>
        %swap3A_94 = arith.index_cast %scan3A_49 : i32 to index
        %swap3A_95 = arith.constant 96 : index
        %swap3A_96 = tpu.vector_load %arg15[%swap3A_94, %swap3A_95] {strides = array<i32>} : memref<128x128xf32, #tpu.memory_space<vmem>>, vector<16xf32>,
        tpu.vector_store %arg15[%swap3A_94, %swap3A_95], %mul3A_93 {strides = array<i32>} : memref<128x128xf32, #tpu.memory_space<vmem>>, vector<16xf32>,
        %get3A_97 = arith.index_cast %scan3A_49 : i32 to index
        %get3A_98 = arith.constant 112 : index
        %get3A_99 = tpu.vector_load %arg15[%get3A_97, %get3A_98] {strides = array<i32>} : memref<128x128xf32, #tpu.memory_space<vmem>>, vector<16xf32>,
        %mul3A_100 = arith.mulf %get3A_99, %gather3A : vector<16xf32>
        %swap3A_101 = arith.index_cast %scan3A_49 : i32 to index
        %swap3A_102 = arith.constant 112 : index
        %swap3A_103 = tpu.vector_load %arg15[%swap3A_101, %swap3A_102] {strides = array<i32>} : memref<128x128xf32, #tpu.memory_space<vmem>>, vector<16xf32>,
        tpu.vector_store %arg15[%swap3A_101, %swap3A_102], %mul3A_100 {strides = array<i32>} : memref<128x128xf32, #tpu.memory_space<vmem>>, vector<16xf32>,
      }
      %scan3A_48 = arith.constant 128 : i32
      "tpu.region"() ({
        %run_scoped3A = tpu.sem_alloc : memref<!tpu.dma_semaphore, #tpu.memory_space<semaphore_mem>>
        %dma_start3A = arith.constant 0 : i32
        %dma_start3A_49 = arith.constant 0 : i32
        %dma_start3A_50 = tpu.memref_slice %arg16[%dma_start3A, %dma_start3A_49] : memref<10112x128xf32, #tpu.memory_space<vmem_shared>> -> memref<10112x128xf32, #tpu.memory_space<vmem_shared>>
        tpu.enqueue_indirect_dma source(%arg15 : memref<128x128xf32, #tpu.memory_space<vmem>>) target(%dma_start3A_50 : memref<10112x128xf32, #tpu.memory_space<vmem_shared>>) offsets(%arg13 : memref<128xi32, #tpu.memory_space<vmem>>) semaphore(%run_scoped3A : memref<!tpu.dma_semaphore, #tpu.memory_space<semaphore_mem>>) {add = true}
        %dma_wait3A = arith.constant 0 : i32
        %dma_wait3A_51 = arith.constant 0 : i32
        %dma_wait3A_52 = tpu.memref_slice %arg16[%dma_wait3A, %dma_wait3A_51] : memref<10112x128xf32, #tpu.memory_space<vmem_shared>> -> memref<10112x128xf32, #tpu.memory_space<vmem_shared>>
        tpu.wait_indirect_dma semaphore(%run_scoped3A : memref<!tpu.dma_semaphore, #tpu.memory_space<semaphore_mem>>) src(%arg15 : memref<128x128xf32, #tpu.memory_space<vmem>>) dst(%dma_wait3A_52 : memref<10112x128xf32, #tpu.memory_space<vmem_shared>>)
        tpu.yield
      }) : () -> ()
      "tpu.region"() ({
        %run_scoped3A = tpu.sem_alloc : memref<!tpu.dma_semaphore, #tpu.memory_space<semaphore_mem>>
        %dma_start3A = arith.constant 0 : i32
        %dma_start3A_49 = tpu.memref_slice %arg17[%dma_start3A] : memref<10112xf32, #tpu.memory_space<vmem_shared>> -> memref<10112xf32, #tpu.memory_space<vmem_shared>>
        tpu.enqueue_indirect_dma source(%arg14 : memref<128xf32, #tpu.memory_space<vmem>>) target(%dma_start3A_49 : memref<10112xf32, #tpu.memory_space<vmem_shared>>) offsets(%arg13 : memref<128xi32, #tpu.memory_space<vmem>>) semaphore(%run_scoped3A : memref<!tpu.dma_semaphore, #tpu.memory_space<semaphore_mem>>) {add = true}
        %dma_wait3A = arith.constant 0 : i32
        %dma_wait3A_50 = tpu.memref_slice %arg17[%dma_wait3A] : memref<10112xf32, #tpu.memory_space<vmem_shared>> -> memref<10112xf32, #tpu.memory_space<vmem_shared>>
        tpu.wait_indirect_dma semaphore(%run_scoped3A : memref<!tpu.dma_semaphore, #tpu.memory_space<semaphore_mem>>) src(%arg14 : memref<128xf32, #tpu.memory_space<vmem>>) dst(%dma_wait3A_50 : memref<10112xf32, #tpu.memory_space<vmem_shared>>)
        tpu.yield
      }) : () -> ()
    }
    %scan3A_9 = arith.constant 80 : i32
    %barrier3A_10 = arith.constant 0 : index
    tpu.barrier barrier_id(%barrier3A_10)
    %eq3A_11 = arith.constant 0 : i32
    %eq3A_12 = arith.cmpi eq, %arg0, %eq3A_11 : i32
    %convert_element_type3A_13 = arith.extui %eq3A_12 : i1 to i32
    %cond3A_14 = arith.constant 0 : i32
    %cond3A_15 = arith.cmpi ne, %convert_element_type3A_13, %cond3A_14 : i32
    scf.if %cond3A_15 {
      %mul3A_28 = arith.constant 632 : i32
      %mul3A_29 = arith.muli %arg1, %mul3A_28 : i32
      %mul3A_30 = arith.constant 632 : i32
      %mul3A_31 = arith.muli %arg1, %mul3A_30 : i32
      "tpu.region"() ({
        %run_scoped3A = tpu.sem_alloc : memref<!tpu.dma_semaphore, #tpu.memory_space<semaphore_mem>>
        %dma_start3A = arith.constant 0 : i32
        %dma_start3A_32 = tpu.memref_slice %arg9[%mul3A_31, %dma_start3A] : memref<10112x128xf32, #tpu.memory_space<hbm>> -> memref<632x128xf32, #tpu.memory_space<hbm>>
        %dma_start3A_33 = arith.constant 0 : i32
        %dma_start3A_34 = tpu.memref_slice %arg16[%mul3A_29, %dma_start3A_33] : memref<10112x128xf32, #tpu.memory_space<vmem_shared>> -> memref<632x128xf32, #tpu.memory_space<vmem_shared>>
        tpu.enqueue_dma source(%dma_start3A_34 : memref<632x128xf32, #tpu.memory_space<vmem_shared>>) target(%dma_start3A_32 : memref<632x128xf32, #tpu.memory_space<hbm>>) target_semaphore(%run_scoped3A : memref<!tpu.dma_semaphore, #tpu.memory_space<semaphore_mem>>)
        %dma_wait3A = arith.constant 0 : i32
        %dma_wait3A_35 = tpu.memref_slice %arg9[%mul3A_31, %dma_wait3A] : memref<10112x128xf32, #tpu.memory_space<hbm>> -> memref<632x128xf32, #tpu.memory_space<hbm>>
        %dma_wait3A_36 = arith.constant 0 : i32
        %dma_wait3A_37 = tpu.memref_slice %arg16[%mul3A_29, %dma_wait3A_36] : memref<10112x128xf32, #tpu.memory_space<vmem_shared>> -> memref<632x128xf32, #tpu.memory_space<vmem_shared>>
        tpu.wait_dma2 semaphore(%run_scoped3A : memref<!tpu.dma_semaphore, #tpu.memory_space<semaphore_mem>>) src(%dma_wait3A_37 : memref<632x128xf32, #tpu.memory_space<vmem_shared>>) dst(%dma_wait3A_35 : memref<632x128xf32, #tpu.memory_space<hbm>>)
        tpu.yield
      }) : () -> ()
    } else {
    }
    %eq3A_16 = arith.constant 1 : i32
    %eq3A_17 = arith.cmpi eq, %arg0, %eq3A_16 : i32
    %convert_element_type3A_18 = arith.extui %eq3A_17 : i1 to i32
    %cond3A_19 = arith.constant 0 : i32
    %cond3A_20 = arith.cmpi ne, %convert_element_type3A_18, %cond3A_19 : i32
    scf.if %cond3A_20 {
      %mul3A_28 = arith.constant 632 : i32
      %mul3A_29 = arith.muli %arg1, %mul3A_28 : i32
      %mul3A_30 = arith.constant 632 : i32
      %mul3A_31 = arith.muli %arg1, %mul3A_30 : i32
      "tpu.region"() ({
        %run_scoped3A = tpu.sem_alloc : memref<!tpu.dma_semaphore, #tpu.memory_space<semaphore_mem>>
        %dma_start3A = arith.constant 0 : i32
        %dma_start3A_32 = tpu.memref_slice %arg10[%mul3A_31, %dma_start3A] : memref<10112x128xf32, #tpu.memory_space<hbm>> -> memref<632x128xf32, #tpu.memory_space<hbm>>
        %dma_start3A_33 = arith.constant 0 : i32
        %dma_start3A_34 = tpu.memref_slice %arg16[%mul3A_29, %dma_start3A_33] : memref<10112x128xf32, #tpu.memory_space<vmem_shared>> -> memref<632x128xf32, #tpu.memory_space<vmem_shared>>
        tpu.enqueue_dma source(%dma_start3A_34 : memref<632x128xf32, #tpu.memory_space<vmem_shared>>) target(%dma_start3A_32 : memref<632x128xf32, #tpu.memory_space<hbm>>) target_semaphore(%run_scoped3A : memref<!tpu.dma_semaphore, #tpu.memory_space<semaphore_mem>>)
        %dma_wait3A = arith.constant 0 : i32
        %dma_wait3A_35 = tpu.memref_slice %arg10[%mul3A_31, %dma_wait3A] : memref<10112x128xf32, #tpu.memory_space<hbm>> -> memref<632x128xf32, #tpu.memory_space<hbm>>
        %dma_wait3A_36 = arith.constant 0 : i32
        %dma_wait3A_37 = tpu.memref_slice %arg16[%mul3A_29, %dma_wait3A_36] : memref<10112x128xf32, #tpu.memory_space<vmem_shared>> -> memref<632x128xf32, #tpu.memory_space<vmem_shared>>
        tpu.wait_dma2 semaphore(%run_scoped3A : memref<!tpu.dma_semaphore, #tpu.memory_space<semaphore_mem>>) src(%dma_wait3A_37 : memref<632x128xf32, #tpu.memory_space<vmem_shared>>) dst(%dma_wait3A_35 : memref<632x128xf32, #tpu.memory_space<hbm>>)
        tpu.yield
      }) : () -> ()
    } else {
    }
    %eq3A_21 = arith.constant 0 : i32
    %eq3A_22 = arith.cmpi eq, %arg0, %eq3A_21 : i32
    %eq3A_23 = arith.constant 0 : i32
    %eq3A_24 = arith.cmpi eq, %arg1, %eq3A_23 : i32
    %and3A = arith.andi %eq3A_22, %eq3A_24 : i1
    %convert_element_type3A_25 = arith.extui %and3A : i1 to i32
    %cond3A_26 = arith.constant 0 : i32
    %cond3A_27 = arith.cmpi ne, %convert_element_type3A_25, %cond3A_26 : i32
    scf.if %cond3A_27 {
      "tpu.region"() ({
        %run_scoped3A = tpu.sem_alloc : memref<!tpu.dma_semaphore, #tpu.memory_space<semaphore_mem>>
        tpu.enqueue_dma source(%arg17 : memref<10112xf32, #tpu.memory_space<vmem_shared>>) target(%arg11 : memref<10112xf32, #tpu.memory_space<hbm>>) target_semaphore(%run_scoped3A : memref<!tpu.dma_semaphore, #tpu.memory_space<semaphore_mem>>)
        tpu.wait_dma2 semaphore(%run_scoped3A : memref<!tpu.dma_semaphore, #tpu.memory_space<semaphore_mem>>) src(%arg17 : memref<10112xf32, #tpu.memory_space<vmem_shared>>) dst(%arg11 : memref<10112xf32, #tpu.memory_space<hbm>>)
        tpu.yield
      }) : () -> ()
    } else {
    }
    return
  }
}

#map = affine_map<(d0, d1) -> (0, 0)>
#map1 = affine_map<(d0, d1) -> (0)>
module attributes {stable_mosaic.version = 14 : i64} {
  func.func @_k2_body(%arg0: i32, %arg1: i32, %arg2: memref<10000x256xf32, #tpu.memory_space<hbm>>, %arg3: memref<10000x256xf32, #tpu.memory_space<hbm>>, %arg4: memref<256xf32, #tpu.memory_space<hbm>>, %arg5: memref<163840xi32, #tpu.memory_space<hbm>>, %arg6: memref<163840xi32, #tpu.memory_space<hbm>>, %arg7: memref<163840xf32, #tpu.memory_space<hbm>>, %arg8: memref<256xf32, #tpu.memory_space<vmem>>, %arg9: memref<128xi32, #tpu.memory_space<vmem>>, %arg10: memref<128xi32, #tpu.memory_space<vmem>>, %arg11: memref<128x256xf32, #tpu.memory_space<vmem>>, %arg12: memref<128x256xf32, #tpu.memory_space<vmem>>, %arg13: memref<128xf32, #tpu.memory_space<vmem>>, %arg14: memref<256xf32, #tpu.memory_space<vmem>>, %arg15: memref<!tpu.dma_semaphore, #tpu.memory_space<semaphore_mem>>, %arg16: memref<!tpu.dma_semaphore, #tpu.memory_space<semaphore_mem>>) attributes {dimension_semantics = [#tpu.dimension_semantics<core_parallel>, #tpu.dimension_semantics<subcore_parallel>], iteration_bounds = array<i64: 2, 16>, scalar_prefetch = 0 : i64, scratch_operands = 9 : i64, tpu.core_type = #tpu.core_type<sc_vector_subcore>, window_params = [{transform_indices = #map}, {transform_indices = #map}, {transform_indices = #map1}, {transform_indices = #map1}, {transform_indices = #map1}, {transform_indices = #map1}]} {
    %mul3A = arith.constant 2 : i32
    %mul3A_0 = arith.muli %arg1, %mul3A : i32
    %add3A = arith.addi %mul3A_0, %arg0 : i32
    %mul3A_1 = arith.constant 5120 : i32
    %mul3A_2 = arith.muli %add3A, %mul3A_1 : i32
    "tpu.region"() ({
      %run_scoped3A = tpu.sem_alloc : memref<!tpu.dma_semaphore, #tpu.memory_space<semaphore_mem>>
      tpu.enqueue_dma source(%arg4 : memref<256xf32, #tpu.memory_space<hbm>>) target(%arg8 : memref<256xf32, #tpu.memory_space<vmem>>) target_semaphore(%run_scoped3A : memref<!tpu.dma_semaphore, #tpu.memory_space<semaphore_mem>>)
      tpu.wait_dma2 semaphore(%run_scoped3A : memref<!tpu.dma_semaphore, #tpu.memory_space<semaphore_mem>>) src(%arg4 : memref<256xf32, #tpu.memory_space<hbm>>) dst(%arg8 : memref<256xf32, #tpu.memory_space<vmem>>)
      tpu.yield
    }) : () -> ()
    %get3A = arith.constant 0 : index
    %get3A_3 = tpu.vector_load %arg8[%get3A] {strides = array<i32>} : memref<256xf32, #tpu.memory_space<vmem>>, vector<16xf32>,
    %get3A_4 = arith.constant 16 : index
    %get3A_5 = tpu.vector_load %arg8[%get3A_4] {strides = array<i32>} : memref<256xf32, #tpu.memory_space<vmem>>, vector<16xf32>,
    %get3A_6 = arith.constant 32 : index
    %get3A_7 = tpu.vector_load %arg8[%get3A_6] {strides = array<i32>} : memref<256xf32, #tpu.memory_space<vmem>>, vector<16xf32>,
    %get3A_8 = arith.constant 48 : index
    %get3A_9 = tpu.vector_load %arg8[%get3A_8] {strides = array<i32>} : memref<256xf32, #tpu.memory_space<vmem>>, vector<16xf32>,
    %get3A_10 = arith.constant 64 : index
    %get3A_11 = tpu.vector_load %arg8[%get3A_10] {strides = array<i32>} : memref<256xf32, #tpu.memory_space<vmem>>, vector<16xf32>,
    %get3A_12 = arith.constant 80 : index
    %get3A_13 = tpu.vector_load %arg8[%get3A_12] {strides = array<i32>} : memref<256xf32, #tpu.memory_space<vmem>>, vector<16xf32>,
    %get3A_14 = arith.constant 96 : index
    %get3A_15 = tpu.vector_load %arg8[%get3A_14] {strides = array<i32>} : memref<256xf32, #tpu.memory_space<vmem>>, vector<16xf32>,
    %get3A_16 = arith.constant 112 : index
    %get3A_17 = tpu.vector_load %arg8[%get3A_16] {strides = array<i32>} : memref<256xf32, #tpu.memory_space<vmem>>, vector<16xf32>,
    %get3A_18 = arith.constant 128 : index
    %get3A_19 = tpu.vector_load %arg8[%get3A_18] {strides = array<i32>} : memref<256xf32, #tpu.memory_space<vmem>>, vector<16xf32>,
    %get3A_20 = arith.constant 144 : index
    %get3A_21 = tpu.vector_load %arg8[%get3A_20] {strides = array<i32>} : memref<256xf32, #tpu.memory_space<vmem>>, vector<16xf32>,
    %get3A_22 = arith.constant 160 : index
    %get3A_23 = tpu.vector_load %arg8[%get3A_22] {strides = array<i32>} : memref<256xf32, #tpu.memory_space<vmem>>, vector<16xf32>,
    %get3A_24 = arith.constant 176 : index
    %get3A_25 = tpu.vector_load %arg8[%get3A_24] {strides = array<i32>} : memref<256xf32, #tpu.memory_space<vmem>>, vector<16xf32>,
    %get3A_26 = arith.constant 192 : index
    %get3A_27 = tpu.vector_load %arg8[%get3A_26] {strides = array<i32>} : memref<256xf32, #tpu.memory_space<vmem>>, vector<16xf32>,
    %get3A_28 = arith.constant 208 : index
    %get3A_29 = tpu.vector_load %arg8[%get3A_28] {strides = array<i32>} : memref<256xf32, #tpu.memory_space<vmem>>, vector<16xf32>,
    %get3A_30 = arith.constant 224 : index
    %get3A_31 = tpu.vector_load %arg8[%get3A_30] {strides = array<i32>} : memref<256xf32, #tpu.memory_space<vmem>>, vector<16xf32>,
    %get3A_32 = arith.constant 240 : index
    %get3A_33 = tpu.vector_load %arg8[%get3A_32] {strides = array<i32>} : memref<256xf32, #tpu.memory_space<vmem>>, vector<16xf32>,
    %iota3A = tpu.iota {dimensions = array<i32: 0>} : vector<16xi32>
    %scan3A = arith.constant 0 : i32
    %scan3A_34 = arith.constant 0 : i32
    %scan3A_35 = arith.constant 40 : i32
    %scan3A_36 = arith.addi %scan3A_34, %scan3A_35 : i32
    %scan3A_37 = arith.constant 1 : i32
    scf.for %scan3A_39 = %scan3A_34 to %scan3A_36 step %scan3A_37  : i32 {
      %mul3A_40 = arith.constant 128 : i32
      %mul3A_41 = arith.muli %scan3A_39, %mul3A_40 : i32
      %add3A_42 = arith.addi %mul3A_2, %mul3A_41 : i32
      "tpu.region"() ({
        %run_scoped3A = tpu.sem_alloc : memref<!tpu.dma_semaphore, #tpu.memory_space<semaphore_mem>>
        %dma_start3A_59 = tpu.memref_slice %arg5[%add3A_42] : memref<163840xi32, #tpu.memory_space<hbm>> -> memref<128xi32, #tpu.memory_space<hbm>>
        %dma_start3A_60 = tpu.memref_slice %arg5[%add3A_42] : memref<163840xi32, #tpu.memory_space<hbm>> -> memref<128xi32, #tpu.memory_space<hbm>>
        tpu.enqueue_dma source(%dma_start3A_60 : memref<128xi32, #tpu.memory_space<hbm>>) target(%arg9 : memref<128xi32, #tpu.memory_space<vmem>>) target_semaphore(%run_scoped3A : memref<!tpu.dma_semaphore, #tpu.memory_space<semaphore_mem>>)
        %dma_wait3A_61 = tpu.memref_slice %arg5[%add3A_42] : memref<163840xi32, #tpu.memory_space<hbm>> -> memref<128xi32, #tpu.memory_space<hbm>>
        %dma_wait3A_62 = tpu.memref_slice %arg5[%add3A_42] : memref<163840xi32, #tpu.memory_space<hbm>> -> memref<128xi32, #tpu.memory_space<hbm>>
        tpu.wait_dma2 semaphore(%run_scoped3A : memref<!tpu.dma_semaphore, #tpu.memory_space<semaphore_mem>>) src(%dma_wait3A_62 : memref<128xi32, #tpu.memory_space<hbm>>) dst(%arg9 : memref<128xi32, #tpu.memory_space<vmem>>)
        tpu.yield
      }) : () -> ()
      "tpu.region"() ({
        %run_scoped3A = tpu.sem_alloc : memref<!tpu.dma_semaphore, #tpu.memory_space<semaphore_mem>>
        %dma_start3A_59 = tpu.memref_slice %arg6[%add3A_42] : memref<163840xi32, #tpu.memory_space<hbm>> -> memref<128xi32, #tpu.memory_space<hbm>>
        %dma_start3A_60 = tpu.memref_slice %arg6[%add3A_42] : memref<163840xi32, #tpu.memory_space<hbm>> -> memref<128xi32, #tpu.memory_space<hbm>>
        tpu.enqueue_dma source(%dma_start3A_60 : memref<128xi32, #tpu.memory_space<hbm>>) target(%arg10 : memref<128xi32, #tpu.memory_space<vmem>>) target_semaphore(%run_scoped3A : memref<!tpu.dma_semaphore, #tpu.memory_space<semaphore_mem>>)
        %dma_wait3A_61 = tpu.memref_slice %arg6[%add3A_42] : memref<163840xi32, #tpu.memory_space<hbm>> -> memref<128xi32, #tpu.memory_space<hbm>>
        %dma_wait3A_62 = tpu.memref_slice %arg6[%add3A_42] : memref<163840xi32, #tpu.memory_space<hbm>> -> memref<128xi32, #tpu.memory_space<hbm>>
        tpu.wait_dma2 semaphore(%run_scoped3A : memref<!tpu.dma_semaphore, #tpu.memory_space<semaphore_mem>>) src(%dma_wait3A_62 : memref<128xi32, #tpu.memory_space<hbm>>) dst(%arg10 : memref<128xi32, #tpu.memory_space<vmem>>)
        tpu.yield
      }) : () -> ()
      %dma_start3A = arith.constant 0 : i32
      %dma_start3A_43 = arith.constant 0 : i32
      %dma_start3A_44 = tpu.memref_slice %arg2[%dma_start3A, %dma_start3A_43] : memref<10000x256xf32, #tpu.memory_space<hbm>> -> memref<10000x256xf32, #tpu.memory_space<hbm>>
      tpu.enqueue_indirect_dma source(%dma_start3A_44 : memref<10000x256xf32, #tpu.memory_space<hbm>>) target(%arg11 : memref<128x256xf32, #tpu.memory_space<vmem>>) offsets(%arg9 : memref<128xi32, #tpu.memory_space<vmem>>) semaphore(%arg15 : memref<!tpu.dma_semaphore, #tpu.memory_space<semaphore_mem>>)
      %dma_start3A_45 = arith.constant 0 : i32
      %dma_start3A_46 = arith.constant 0 : i32
      %dma_start3A_47 = tpu.memref_slice %arg3[%dma_start3A_45, %dma_start3A_46] : memref<10000x256xf32, #tpu.memory_space<hbm>> -> memref<10000x256xf32, #tpu.memory_space<hbm>>
      tpu.enqueue_indirect_dma source(%dma_start3A_47 : memref<10000x256xf32, #tpu.memory_space<hbm>>) target(%arg12 : memref<128x256xf32, #tpu.memory_space<vmem>>) offsets(%arg10 : memref<128xi32, #tpu.memory_space<vmem>>) semaphore(%arg16 : memref<!tpu.dma_semaphore, #tpu.memory_space<semaphore_mem>>)
      %dma_wait3A = arith.constant 0 : i32
      %dma_wait3A_48 = arith.constant 0 : i32
      %dma_wait3A_49 = tpu.memref_slice %arg2[%dma_wait3A, %dma_wait3A_48] : memref<10000x256xf32, #tpu.memory_space<hbm>> -> memref<10000x256xf32, #tpu.memory_space<hbm>>
      tpu.wait_indirect_dma semaphore(%arg15 : memref<!tpu.dma_semaphore, #tpu.memory_space<semaphore_mem>>) src(%dma_wait3A_49 : memref<10000x256xf32, #tpu.memory_space<hbm>>) dst(%arg11 : memref<128x256xf32, #tpu.memory_space<vmem>>)
      %dma_wait3A_50 = arith.constant 0 : i32
      %dma_wait3A_51 = arith.constant 0 : i32
      %dma_wait3A_52 = tpu.memref_slice %arg3[%dma_wait3A_50, %dma_wait3A_51] : memref<10000x256xf32, #tpu.memory_space<hbm>> -> memref<10000x256xf32, #tpu.memory_space<hbm>>
      tpu.wait_indirect_dma semaphore(%arg16 : memref<!tpu.dma_semaphore, #tpu.memory_space<semaphore_mem>>) src(%dma_wait3A_52 : memref<10000x256xf32, #tpu.memory_space<hbm>>) dst(%arg12 : memref<128x256xf32, #tpu.memory_space<vmem>>)
      %scan3A_53 = arith.constant 0 : i32
      %scan3A_54 = arith.constant 0 : i32
      %scan3A_55 = arith.constant 8 : i32
      %scan3A_56 = arith.addi %scan3A_54, %scan3A_55 : i32
      %scan3A_57 = arith.constant 1 : i32
      scf.for %scan3A_59 = %scan3A_54 to %scan3A_56 step %scan3A_57  : i32 {
        %mul3A_60 = arith.constant 16 : i32
        %mul3A_61 = arith.muli %scan3A_59, %mul3A_60 : i32
        %scan3A_62 = arith.constant 0 : i32
        %scan3A_63 = arith.constant 0 : i32
        %scan3A_64 = arith.constant 16 : i32
        %scan3A_65 = arith.addi %scan3A_63, %scan3A_64 : i32
        %scan3A_66 = arith.constant 1 : i32
        scf.for %scan3A_198 = %scan3A_63 to %scan3A_65 step %scan3A_66  : i32 {
          %add3A_199 = arith.addi %mul3A_61, %scan3A_198 : i32
          %broadcast_in_dim3A_200 = arith.constant 0.000000e+00 : f32
          %broadcast_in_dim3A_201 = vector.broadcast %broadcast_in_dim3A_200 : f32 to vector<16xf32>
          %get3A_202 = arith.index_cast %add3A_199 : i32 to index
          %get3A_203 = arith.constant 0 : index
          %get3A_204 = tpu.vector_load %arg11[%get3A_202, %get3A_203] {strides = array<i32>} : memref<128x256xf32, #tpu.memory_space<vmem>>, vector<16xf32>,
          %get3A_205 = arith.index_cast %add3A_199 : i32 to index
          %get3A_206 = arith.constant 0 : index
          %get3A_207 = tpu.vector_load %arg12[%get3A_205, %get3A_206] {strides = array<i32>} : memref<128x256xf32, #tpu.memory_space<vmem>>, vector<16xf32>,
          %add3A_208 = arith.addf %get3A_204, %get3A_207 : vector<16xf32>
          %mul3A_209 = arith.constant 0.00999999977 : f32
          %mul3A_210 = vector.broadcast %mul3A_209 : f32 to vector<16xf32>
          %mul3A_211 = arith.mulf %mul3A_210, %add3A_208 : vector<16xf32>
          %max3A = arith.maximumf %add3A_208, %mul3A_211 : vector<16xf32>
          %mul3A_212 = arith.mulf %get3A_3, %max3A : vector<16xf32>
          %add3A_213 = arith.addf %broadcast_in_dim3A_201, %mul3A_212 : vector<16xf32>
          %get3A_214 = arith.index_cast %add3A_199 : i32 to index
          %get3A_215 = arith.constant 16 : index
          %get3A_216 = tpu.vector_load %arg11[%get3A_214, %get3A_215] {strides = array<i32>} : memref<128x256xf32, #tpu.memory_space<vmem>>, vector<16xf32>,
          %get3A_217 = arith.index_cast %add3A_199 : i32 to index
          %get3A_218 = arith.constant 16 : index
          %get3A_219 = tpu.vector_load %arg12[%get3A_217, %get3A_218] {strides = array<i32>} : memref<128x256xf32, #tpu.memory_space<vmem>>, vector<16xf32>,
          %add3A_220 = arith.addf %get3A_216, %get3A_219 : vector<16xf32>
          %mul3A_221 = arith.constant 0.00999999977 : f32
          %mul3A_222 = vector.broadcast %mul3A_221 : f32 to vector<16xf32>
          %mul3A_223 = arith.mulf %mul3A_222, %add3A_220 : vector<16xf32>
          %max3A_224 = arith.maximumf %add3A_220, %mul3A_223 : vector<16xf32>
          %mul3A_225 = arith.mulf %get3A_5, %max3A_224 : vector<16xf32>
          %add3A_226 = arith.addf %add3A_213, %mul3A_225 : vector<16xf32>
          %get3A_227 = arith.index_cast %add3A_199 : i32 to index
          %get3A_228 = arith.constant 32 : index
          %get3A_229 = tpu.vector_load %arg11[%get3A_227, %get3A_228] {strides = array<i32>} : memref<128x256xf32, #tpu.memory_space<vmem>>, vector<16xf32>,
          %get3A_230 = arith.index_cast %add3A_199 : i32 to index
          %get3A_231 = arith.constant 32 : index
          %get3A_232 = tpu.vector_load %arg12[%get3A_230, %get3A_231] {strides = array<i32>} : memref<128x256xf32, #tpu.memory_space<vmem>>, vector<16xf32>,
          %add3A_233 = arith.addf %get3A_229, %get3A_232 : vector<16xf32>
          %mul3A_234 = arith.constant 0.00999999977 : f32
          %mul3A_235 = vector.broadcast %mul3A_234 : f32 to vector<16xf32>
          %mul3A_236 = arith.mulf %mul3A_235, %add3A_233 : vector<16xf32>
          %max3A_237 = arith.maximumf %add3A_233, %mul3A_236 : vector<16xf32>
          %mul3A_238 = arith.mulf %get3A_7, %max3A_237 : vector<16xf32>
          %add3A_239 = arith.addf %add3A_226, %mul3A_238 : vector<16xf32>
          %get3A_240 = arith.index_cast %add3A_199 : i32 to index
          %get3A_241 = arith.constant 48 : index
          %get3A_242 = tpu.vector_load %arg11[%get3A_240, %get3A_241] {strides = array<i32>} : memref<128x256xf32, #tpu.memory_space<vmem>>, vector<16xf32>,
          %get3A_243 = arith.index_cast %add3A_199 : i32 to index
          %get3A_244 = arith.constant 48 : index
          %get3A_245 = tpu.vector_load %arg12[%get3A_243, %get3A_244] {strides = array<i32>} : memref<128x256xf32, #tpu.memory_space<vmem>>, vector<16xf32>,
          %add3A_246 = arith.addf %get3A_242, %get3A_245 : vector<16xf32>
          %mul3A_247 = arith.constant 0.00999999977 : f32
          %mul3A_248 = vector.broadcast %mul3A_247 : f32 to vector<16xf32>
          %mul3A_249 = arith.mulf %mul3A_248, %add3A_246 : vector<16xf32>
          %max3A_250 = arith.maximumf %add3A_246, %mul3A_249 : vector<16xf32>
          %mul3A_251 = arith.mulf %get3A_9, %max3A_250 : vector<16xf32>
          %add3A_252 = arith.addf %add3A_239, %mul3A_251 : vector<16xf32>
          %get3A_253 = arith.index_cast %add3A_199 : i32 to index
          %get3A_254 = arith.constant 64 : index
          %get3A_255 = tpu.vector_load %arg11[%get3A_253, %get3A_254] {strides = array<i32>} : memref<128x256xf32, #tpu.memory_space<vmem>>, vector<16xf32>,
          %get3A_256 = arith.index_cast %add3A_199 : i32 to index
          %get3A_257 = arith.constant 64 : index
          %get3A_258 = tpu.vector_load %arg12[%get3A_256, %get3A_257] {strides = array<i32>} : memref<128x256xf32, #tpu.memory_space<vmem>>, vector<16xf32>,
          %add3A_259 = arith.addf %get3A_255, %get3A_258 : vector<16xf32>
          %mul3A_260 = arith.constant 0.00999999977 : f32
          %mul3A_261 = vector.broadcast %mul3A_260 : f32 to vector<16xf32>
          %mul3A_262 = arith.mulf %mul3A_261, %add3A_259 : vector<16xf32>
          %max3A_263 = arith.maximumf %add3A_259, %mul3A_262 : vector<16xf32>
          %mul3A_264 = arith.mulf %get3A_11, %max3A_263 : vector<16xf32>
          %add3A_265 = arith.addf %add3A_252, %mul3A_264 : vector<16xf32>
          %get3A_266 = arith.index_cast %add3A_199 : i32 to index
          %get3A_267 = arith.constant 80 : index
          %get3A_268 = tpu.vector_load %arg11[%get3A_266, %get3A_267] {strides = array<i32>} : memref<128x256xf32, #tpu.memory_space<vmem>>, vector<16xf32>,
          %get3A_269 = arith.index_cast %add3A_199 : i32 to index
          %get3A_270 = arith.constant 80 : index
          %get3A_271 = tpu.vector_load %arg12[%get3A_269, %get3A_270] {strides = array<i32>} : memref<128x256xf32, #tpu.memory_space<vmem>>, vector<16xf32>,
          %add3A_272 = arith.addf %get3A_268, %get3A_271 : vector<16xf32>
          %mul3A_273 = arith.constant 0.00999999977 : f32
          %mul3A_274 = vector.broadcast %mul3A_273 : f32 to vector<16xf32>
          %mul3A_275 = arith.mulf %mul3A_274, %add3A_272 : vector<16xf32>
          %max3A_276 = arith.maximumf %add3A_272, %mul3A_275 : vector<16xf32>
          %mul3A_277 = arith.mulf %get3A_13, %max3A_276 : vector<16xf32>
          %add3A_278 = arith.addf %add3A_265, %mul3A_277 : vector<16xf32>
          %get3A_279 = arith.index_cast %add3A_199 : i32 to index
          %get3A_280 = arith.constant 96 : index
          %get3A_281 = tpu.vector_load %arg11[%get3A_279, %get3A_280] {strides = array<i32>} : memref<128x256xf32, #tpu.memory_space<vmem>>, vector<16xf32>,
          %get3A_282 = arith.index_cast %add3A_199 : i32 to index
          %get3A_283 = arith.constant 96 : index
          %get3A_284 = tpu.vector_load %arg12[%get3A_282, %get3A_283] {strides = array<i32>} : memref<128x256xf32, #tpu.memory_space<vmem>>, vector<16xf32>,
          %add3A_285 = arith.addf %get3A_281, %get3A_284 : vector<16xf32>
          %mul3A_286 = arith.constant 0.00999999977 : f32
          %mul3A_287 = vector.broadcast %mul3A_286 : f32 to vector<16xf32>
          %mul3A_288 = arith.mulf %mul3A_287, %add3A_285 : vector<16xf32>
          %max3A_289 = arith.maximumf %add3A_285, %mul3A_288 : vector<16xf32>
          %mul3A_290 = arith.mulf %get3A_15, %max3A_289 : vector<16xf32>
          %add3A_291 = arith.addf %add3A_278, %mul3A_290 : vector<16xf32>
          %get3A_292 = arith.index_cast %add3A_199 : i32 to index
          %get3A_293 = arith.constant 112 : index
          %get3A_294 = tpu.vector_load %arg11[%get3A_292, %get3A_293] {strides = array<i32>} : memref<128x256xf32, #tpu.memory_space<vmem>>, vector<16xf32>,
          %get3A_295 = arith.index_cast %add3A_199 : i32 to index
          %get3A_296 = arith.constant 112 : index
          %get3A_297 = tpu.vector_load %arg12[%get3A_295, %get3A_296] {strides = array<i32>} : memref<128x256xf32, #tpu.memory_space<vmem>>, vector<16xf32>,
          %add3A_298 = arith.addf %get3A_294, %get3A_297 : vector<16xf32>
          %mul3A_299 = arith.constant 0.00999999977 : f32
          %mul3A_300 = vector.broadcast %mul3A_299 : f32 to vector<16xf32>
          %mul3A_301 = arith.mulf %mul3A_300, %add3A_298 : vector<16xf32>
          %max3A_302 = arith.maximumf %add3A_298, %mul3A_301 : vector<16xf32>
          %mul3A_303 = arith.mulf %get3A_17, %max3A_302 : vector<16xf32>
          %add3A_304 = arith.addf %add3A_291, %mul3A_303 : vector<16xf32>
          %get3A_305 = arith.index_cast %add3A_199 : i32 to index
          %get3A_306 = arith.constant 128 : index
          %get3A_307 = tpu.vector_load %arg11[%get3A_305, %get3A_306] {strides = array<i32>} : memref<128x256xf32, #tpu.memory_space<vmem>>, vector<16xf32>,
          %get3A_308 = arith.index_cast %add3A_199 : i32 to index
          %get3A_309 = arith.constant 128 : index
          %get3A_310 = tpu.vector_load %arg12[%get3A_308, %get3A_309] {strides = array<i32>} : memref<128x256xf32, #tpu.memory_space<vmem>>, vector<16xf32>,
          %add3A_311 = arith.addf %get3A_307, %get3A_310 : vector<16xf32>
          %mul3A_312 = arith.constant 0.00999999977 : f32
          %mul3A_313 = vector.broadcast %mul3A_312 : f32 to vector<16xf32>
          %mul3A_314 = arith.mulf %mul3A_313, %add3A_311 : vector<16xf32>
          %max3A_315 = arith.maximumf %add3A_311, %mul3A_314 : vector<16xf32>
          %mul3A_316 = arith.mulf %get3A_19, %max3A_315 : vector<16xf32>
          %add3A_317 = arith.addf %add3A_304, %mul3A_316 : vector<16xf32>
          %get3A_318 = arith.index_cast %add3A_199 : i32 to index
          %get3A_319 = arith.constant 144 : index
          %get3A_320 = tpu.vector_load %arg11[%get3A_318, %get3A_319] {strides = array<i32>} : memref<128x256xf32, #tpu.memory_space<vmem>>, vector<16xf32>,
          %get3A_321 = arith.index_cast %add3A_199 : i32 to index
          %get3A_322 = arith.constant 144 : index
          %get3A_323 = tpu.vector_load %arg12[%get3A_321, %get3A_322] {strides = array<i32>} : memref<128x256xf32, #tpu.memory_space<vmem>>, vector<16xf32>,
          %add3A_324 = arith.addf %get3A_320, %get3A_323 : vector<16xf32>
          %mul3A_325 = arith.constant 0.00999999977 : f32
          %mul3A_326 = vector.broadcast %mul3A_325 : f32 to vector<16xf32>
          %mul3A_327 = arith.mulf %mul3A_326, %add3A_324 : vector<16xf32>
          %max3A_328 = arith.maximumf %add3A_324, %mul3A_327 : vector<16xf32>
          %mul3A_329 = arith.mulf %get3A_21, %max3A_328 : vector<16xf32>
          %add3A_330 = arith.addf %add3A_317, %mul3A_329 : vector<16xf32>
          %get3A_331 = arith.index_cast %add3A_199 : i32 to index
          %get3A_332 = arith.constant 160 : index
          %get3A_333 = tpu.vector_load %arg11[%get3A_331, %get3A_332] {strides = array<i32>} : memref<128x256xf32, #tpu.memory_space<vmem>>, vector<16xf32>,
          %get3A_334 = arith.index_cast %add3A_199 : i32 to index
          %get3A_335 = arith.constant 160 : index
          %get3A_336 = tpu.vector_load %arg12[%get3A_334, %get3A_335] {strides = array<i32>} : memref<128x256xf32, #tpu.memory_space<vmem>>, vector<16xf32>,
          %add3A_337 = arith.addf %get3A_333, %get3A_336 : vector<16xf32>
          %mul3A_338 = arith.constant 0.00999999977 : f32
          %mul3A_339 = vector.broadcast %mul3A_338 : f32 to vector<16xf32>
          %mul3A_340 = arith.mulf %mul3A_339, %add3A_337 : vector<16xf32>
          %max3A_341 = arith.maximumf %add3A_337, %mul3A_340 : vector<16xf32>
          %mul3A_342 = arith.mulf %get3A_23, %max3A_341 : vector<16xf32>
          %add3A_343 = arith.addf %add3A_330, %mul3A_342 : vector<16xf32>
          %get3A_344 = arith.index_cast %add3A_199 : i32 to index
          %get3A_345 = arith.constant 176 : index
          %get3A_346 = tpu.vector_load %arg11[%get3A_344, %get3A_345] {strides = array<i32>} : memref<128x256xf32, #tpu.memory_space<vmem>>, vector<16xf32>,
          %get3A_347 = arith.index_cast %add3A_199 : i32 to index
          %get3A_348 = arith.constant 176 : index
          %get3A_349 = tpu.vector_load %arg12[%get3A_347, %get3A_348] {strides = array<i32>} : memref<128x256xf32, #tpu.memory_space<vmem>>, vector<16xf32>,
          %add3A_350 = arith.addf %get3A_346, %get3A_349 : vector<16xf32>
          %mul3A_351 = arith.constant 0.00999999977 : f32
          %mul3A_352 = vector.broadcast %mul3A_351 : f32 to vector<16xf32>
          %mul3A_353 = arith.mulf %mul3A_352, %add3A_350 : vector<16xf32>
          %max3A_354 = arith.maximumf %add3A_350, %mul3A_353 : vector<16xf32>
          %mul3A_355 = arith.mulf %get3A_25, %max3A_354 : vector<16xf32>
          %add3A_356 = arith.addf %add3A_343, %mul3A_355 : vector<16xf32>
          %get3A_357 = arith.index_cast %add3A_199 : i32 to index
          %get3A_358 = arith.constant 192 : index
          %get3A_359 = tpu.vector_load %arg11[%get3A_357, %get3A_358] {strides = array<i32>} : memref<128x256xf32, #tpu.memory_space<vmem>>, vector<16xf32>,
          %get3A_360 = arith.index_cast %add3A_199 : i32 to index
          %get3A_361 = arith.constant 192 : index
          %get3A_362 = tpu.vector_load %arg12[%get3A_360, %get3A_361] {strides = array<i32>} : memref<128x256xf32, #tpu.memory_space<vmem>>, vector<16xf32>,
          %add3A_363 = arith.addf %get3A_359, %get3A_362 : vector<16xf32>
          %mul3A_364 = arith.constant 0.00999999977 : f32
          %mul3A_365 = vector.broadcast %mul3A_364 : f32 to vector<16xf32>
          %mul3A_366 = arith.mulf %mul3A_365, %add3A_363 : vector<16xf32>
          %max3A_367 = arith.maximumf %add3A_363, %mul3A_366 : vector<16xf32>
          %mul3A_368 = arith.mulf %get3A_27, %max3A_367 : vector<16xf32>
          %add3A_369 = arith.addf %add3A_356, %mul3A_368 : vector<16xf32>
          %get3A_370 = arith.index_cast %add3A_199 : i32 to index
          %get3A_371 = arith.constant 208 : index
          %get3A_372 = tpu.vector_load %arg11[%get3A_370, %get3A_371] {strides = array<i32>} : memref<128x256xf32, #tpu.memory_space<vmem>>, vector<16xf32>,
          %get3A_373 = arith.index_cast %add3A_199 : i32 to index
          %get3A_374 = arith.constant 208 : index
          %get3A_375 = tpu.vector_load %arg12[%get3A_373, %get3A_374] {strides = array<i32>} : memref<128x256xf32, #tpu.memory_space<vmem>>, vector<16xf32>,
          %add3A_376 = arith.addf %get3A_372, %get3A_375 : vector<16xf32>
          %mul3A_377 = arith.constant 0.00999999977 : f32
          %mul3A_378 = vector.broadcast %mul3A_377 : f32 to vector<16xf32>
          %mul3A_379 = arith.mulf %mul3A_378, %add3A_376 : vector<16xf32>
          %max3A_380 = arith.maximumf %add3A_376, %mul3A_379 : vector<16xf32>
          %mul3A_381 = arith.mulf %get3A_29, %max3A_380 : vector<16xf32>
          %add3A_382 = arith.addf %add3A_369, %mul3A_381 : vector<16xf32>
          %get3A_383 = arith.index_cast %add3A_199 : i32 to index
          %get3A_384 = arith.constant 224 : index
          %get3A_385 = tpu.vector_load %arg11[%get3A_383, %get3A_384] {strides = array<i32>} : memref<128x256xf32, #tpu.memory_space<vmem>>, vector<16xf32>,
          %get3A_386 = arith.index_cast %add3A_199 : i32 to index
          %get3A_387 = arith.constant 224 : index
          %get3A_388 = tpu.vector_load %arg12[%get3A_386, %get3A_387] {strides = array<i32>} : memref<128x256xf32, #tpu.memory_space<vmem>>, vector<16xf32>,
          %add3A_389 = arith.addf %get3A_385, %get3A_388 : vector<16xf32>
          %mul3A_390 = arith.constant 0.00999999977 : f32
          %mul3A_391 = vector.broadcast %mul3A_390 : f32 to vector<16xf32>
          %mul3A_392 = arith.mulf %mul3A_391, %add3A_389 : vector<16xf32>
          %max3A_393 = arith.maximumf %add3A_389, %mul3A_392 : vector<16xf32>
          %mul3A_394 = arith.mulf %get3A_31, %max3A_393 : vector<16xf32>
          %add3A_395 = arith.addf %add3A_382, %mul3A_394 : vector<16xf32>
          %get3A_396 = arith.index_cast %add3A_199 : i32 to index
          %get3A_397 = arith.constant 240 : index
          %get3A_398 = tpu.vector_load %arg11[%get3A_396, %get3A_397] {strides = array<i32>} : memref<128x256xf32, #tpu.memory_space<vmem>>, vector<16xf32>,
          %get3A_399 = arith.index_cast %add3A_199 : i32 to index
          %get3A_400 = arith.constant 240 : index
          %get3A_401 = tpu.vector_load %arg12[%get3A_399, %get3A_400] {strides = array<i32>} : memref<128x256xf32, #tpu.memory_space<vmem>>, vector<16xf32>,
          %add3A_402 = arith.addf %get3A_398, %get3A_401 : vector<16xf32>
          %mul3A_403 = arith.constant 0.00999999977 : f32
          %mul3A_404 = vector.broadcast %mul3A_403 : f32 to vector<16xf32>
          %mul3A_405 = arith.mulf %mul3A_404, %add3A_402 : vector<16xf32>
          %max3A_406 = arith.maximumf %add3A_402, %mul3A_405 : vector<16xf32>
          %mul3A_407 = arith.mulf %get3A_33, %max3A_406 : vector<16xf32>
          %add3A_408 = arith.addf %add3A_395, %mul3A_407 : vector<16xf32>
          %mul3A_409 = arith.constant 16 : i32
          %mul3A_410 = arith.muli %scan3A_198, %mul3A_409 : i32
          %add3A_411 = vector.broadcast %mul3A_410 : i32 to vector<16xi32>
          %add3A_412 = arith.addi %add3A_411, %iota3A : vector<16xi32>
          tpu.vector_store_idx %arg14[%add3A_412], %add3A_408 : memref<256xf32, #tpu.memory_space<vmem>>[vector<16xi32>], vector<16xf32>,
        }
        %scan3A_67 = arith.constant 16 : i32
        %broadcast_in_dim3A = arith.constant 0.000000e+00 : f32
        %broadcast_in_dim3A_68 = vector.broadcast %broadcast_in_dim3A : f32 to vector<16xf32>
        %mul3A_69 = arith.constant 16 : i32
        %mul3A_70 = vector.broadcast %mul3A_69 : i32 to vector<16xi32>
        %mul3A_71 = arith.muli %iota3A, %mul3A_70 : vector<16xi32>
        %add3A_72 = arith.constant 0 : i32
        %add3A_73 = vector.broadcast %add3A_72 : i32 to vector<16xi32>
        %add3A_74 = arith.addi %mul3A_71, %add3A_73 : vector<16xi32>
        %gather3A = tpu.vector_load_idx %arg14[%add3A_74] : memref<256xf32, #tpu.memory_space<vmem>>[vector<16xi32>], vector<16xf32>,
        %add3A_75 = arith.addf %broadcast_in_dim3A_68, %gather3A : vector<16xf32>
        %mul3A_76 = arith.constant 16 : i32
        %mul3A_77 = vector.broadcast %mul3A_76 : i32 to vector<16xi32>
        %mul3A_78 = arith.muli %iota3A, %mul3A_77 : vector<16xi32>
        %add3A_79 = arith.constant 1 : i32
        %add3A_80 = vector.broadcast %add3A_79 : i32 to vector<16xi32>
        %add3A_81 = arith.addi %mul3A_78, %add3A_80 : vector<16xi32>
        %gather3A_82 = tpu.vector_load_idx %arg14[%add3A_81] : memref<256xf32, #tpu.memory_space<vmem>>[vector<16xi32>], vector<16xf32>,
        %add3A_83 = arith.addf %add3A_75, %gather3A_82 : vector<16xf32>
        %mul3A_84 = arith.constant 16 : i32
        %mul3A_85 = vector.broadcast %mul3A_84 : i32 to vector<16xi32>
        %mul3A_86 = arith.muli %iota3A, %mul3A_85 : vector<16xi32>
        %add3A_87 = arith.constant 2 : i32
        %add3A_88 = vector.broadcast %add3A_87 : i32 to vector<16xi32>
        %add3A_89 = arith.addi %mul3A_86, %add3A_88 : vector<16xi32>
        %gather3A_90 = tpu.vector_load_idx %arg14[%add3A_89] : memref<256xf32, #tpu.memory_space<vmem>>[vector<16xi32>], vector<16xf32>,
        %add3A_91 = arith.addf %add3A_83, %gather3A_90 : vector<16xf32>
        %mul3A_92 = arith.constant 16 : i32
        %mul3A_93 = vector.broadcast %mul3A_92 : i32 to vector<16xi32>
        %mul3A_94 = arith.muli %iota3A, %mul3A_93 : vector<16xi32>
        %add3A_95 = arith.constant 3 : i32
        %add3A_96 = vector.broadcast %add3A_95 : i32 to vector<16xi32>
        %add3A_97 = arith.addi %mul3A_94, %add3A_96 : vector<16xi32>
        %gather3A_98 = tpu.vector_load_idx %arg14[%add3A_97] : memref<256xf32, #tpu.memory_space<vmem>>[vector<16xi32>], vector<16xf32>,
        %add3A_99 = arith.addf %add3A_91, %gather3A_98 : vector<16xf32>
        %mul3A_100 = arith.constant 16 : i32
        %mul3A_101 = vector.broadcast %mul3A_100 : i32 to vector<16xi32>
        %mul3A_102 = arith.muli %iota3A, %mul3A_101 : vector<16xi32>
        %add3A_103 = arith.constant 4 : i32
        %add3A_104 = vector.broadcast %add3A_103 : i32 to vector<16xi32>
        %add3A_105 = arith.addi %mul3A_102, %add3A_104 : vector<16xi32>
        %gather3A_106 = tpu.vector_load_idx %arg14[%add3A_105] : memref<256xf32, #tpu.memory_space<vmem>>[vector<16xi32>], vector<16xf32>,
        %add3A_107 = arith.addf %add3A_99, %gather3A_106 : vector<16xf32>
        %mul3A_108 = arith.constant 16 : i32
        %mul3A_109 = vector.broadcast %mul3A_108 : i32 to vector<16xi32>
        %mul3A_110 = arith.muli %iota3A, %mul3A_109 : vector<16xi32>
        %add3A_111 = arith.constant 5 : i32
        %add3A_112 = vector.broadcast %add3A_111 : i32 to vector<16xi32>
        %add3A_113 = arith.addi %mul3A_110, %add3A_112 : vector<16xi32>
        %gather3A_114 = tpu.vector_load_idx %arg14[%add3A_113] : memref<256xf32, #tpu.memory_space<vmem>>[vector<16xi32>], vector<16xf32>,
        %add3A_115 = arith.addf %add3A_107, %gather3A_114 : vector<16xf32>
        %mul3A_116 = arith.constant 16 : i32
        %mul3A_117 = vector.broadcast %mul3A_116 : i32 to vector<16xi32>
        %mul3A_118 = arith.muli %iota3A, %mul3A_117 : vector<16xi32>
        %add3A_119 = arith.constant 6 : i32
        %add3A_120 = vector.broadcast %add3A_119 : i32 to vector<16xi32>
        %add3A_121 = arith.addi %mul3A_118, %add3A_120 : vector<16xi32>
        %gather3A_122 = tpu.vector_load_idx %arg14[%add3A_121] : memref<256xf32, #tpu.memory_space<vmem>>[vector<16xi32>], vector<16xf32>,
        %add3A_123 = arith.addf %add3A_115, %gather3A_122 : vector<16xf32>
        %mul3A_124 = arith.constant 16 : i32
        %mul3A_125 = vector.broadcast %mul3A_124 : i32 to vector<16xi32>
        %mul3A_126 = arith.muli %iota3A, %mul3A_125 : vector<16xi32>
        %add3A_127 = arith.constant 7 : i32
        %add3A_128 = vector.broadcast %add3A_127 : i32 to vector<16xi32>
        %add3A_129 = arith.addi %mul3A_126, %add3A_128 : vector<16xi32>
        %gather3A_130 = tpu.vector_load_idx %arg14[%add3A_129] : memref<256xf32, #tpu.memory_space<vmem>>[vector<16xi32>], vector<16xf32>,
        %add3A_131 = arith.addf %add3A_123, %gather3A_130 : vector<16xf32>
        %mul3A_132 = arith.constant 16 : i32
        %mul3A_133 = vector.broadcast %mul3A_132 : i32 to vector<16xi32>
        %mul3A_134 = arith.muli %iota3A, %mul3A_133 : vector<16xi32>
        %add3A_135 = arith.constant 8 : i32
        %add3A_136 = vector.broadcast %add3A_135 : i32 to vector<16xi32>
        %add3A_137 = arith.addi %mul3A_134, %add3A_136 : vector<16xi32>
        %gather3A_138 = tpu.vector_load_idx %arg14[%add3A_137] : memref<256xf32, #tpu.memory_space<vmem>>[vector<16xi32>], vector<16xf32>,
        %add3A_139 = arith.addf %add3A_131, %gather3A_138 : vector<16xf32>
        %mul3A_140 = arith.constant 16 : i32
        %mul3A_141 = vector.broadcast %mul3A_140 : i32 to vector<16xi32>
        %mul3A_142 = arith.muli %iota3A, %mul3A_141 : vector<16xi32>
        %add3A_143 = arith.constant 9 : i32
        %add3A_144 = vector.broadcast %add3A_143 : i32 to vector<16xi32>
        %add3A_145 = arith.addi %mul3A_142, %add3A_144 : vector<16xi32>
        %gather3A_146 = tpu.vector_load_idx %arg14[%add3A_145] : memref<256xf32, #tpu.memory_space<vmem>>[vector<16xi32>], vector<16xf32>,
        %add3A_147 = arith.addf %add3A_139, %gather3A_146 : vector<16xf32>
        %mul3A_148 = arith.constant 16 : i32
        %mul3A_149 = vector.broadcast %mul3A_148 : i32 to vector<16xi32>
        %mul3A_150 = arith.muli %iota3A, %mul3A_149 : vector<16xi32>
        %add3A_151 = arith.constant 10 : i32
        %add3A_152 = vector.broadcast %add3A_151 : i32 to vector<16xi32>
        %add3A_153 = arith.addi %mul3A_150, %add3A_152 : vector<16xi32>
        %gather3A_154 = tpu.vector_load_idx %arg14[%add3A_153] : memref<256xf32, #tpu.memory_space<vmem>>[vector<16xi32>], vector<16xf32>,
        %add3A_155 = arith.addf %add3A_147, %gather3A_154 : vector<16xf32>
        %mul3A_156 = arith.constant 16 : i32
        %mul3A_157 = vector.broadcast %mul3A_156 : i32 to vector<16xi32>
        %mul3A_158 = arith.muli %iota3A, %mul3A_157 : vector<16xi32>
        %add3A_159 = arith.constant 11 : i32
        %add3A_160 = vector.broadcast %add3A_159 : i32 to vector<16xi32>
        %add3A_161 = arith.addi %mul3A_158, %add3A_160 : vector<16xi32>
        %gather3A_162 = tpu.vector_load_idx %arg14[%add3A_161] : memref<256xf32, #tpu.memory_space<vmem>>[vector<16xi32>], vector<16xf32>,
        %add3A_163 = arith.addf %add3A_155, %gather3A_162 : vector<16xf32>
        %mul3A_164 = arith.constant 16 : i32
        %mul3A_165 = vector.broadcast %mul3A_164 : i32 to vector<16xi32>
        %mul3A_166 = arith.muli %iota3A, %mul3A_165 : vector<16xi32>
        %add3A_167 = arith.constant 12 : i32
        %add3A_168 = vector.broadcast %add3A_167 : i32 to vector<16xi32>
        %add3A_169 = arith.addi %mul3A_166, %add3A_168 : vector<16xi32>
        %gather3A_170 = tpu.vector_load_idx %arg14[%add3A_169] : memref<256xf32, #tpu.memory_space<vmem>>[vector<16xi32>], vector<16xf32>,
        %add3A_171 = arith.addf %add3A_163, %gather3A_170 : vector<16xf32>
        %mul3A_172 = arith.constant 16 : i32
        %mul3A_173 = vector.broadcast %mul3A_172 : i32 to vector<16xi32>
        %mul3A_174 = arith.muli %iota3A, %mul3A_173 : vector<16xi32>
        %add3A_175 = arith.constant 13 : i32
        %add3A_176 = vector.broadcast %add3A_175 : i32 to vector<16xi32>
        %add3A_177 = arith.addi %mul3A_174, %add3A_176 : vector<16xi32>
        %gather3A_178 = tpu.vector_load_idx %arg14[%add3A_177] : memref<256xf32, #tpu.memory_space<vmem>>[vector<16xi32>], vector<16xf32>,
        %add3A_179 = arith.addf %add3A_171, %gather3A_178 : vector<16xf32>
        %mul3A_180 = arith.constant 16 : i32
        %mul3A_181 = vector.broadcast %mul3A_180 : i32 to vector<16xi32>
        %mul3A_182 = arith.muli %iota3A, %mul3A_181 : vector<16xi32>
        %add3A_183 = arith.constant 14 : i32
        %add3A_184 = vector.broadcast %add3A_183 : i32 to vector<16xi32>
        %add3A_185 = arith.addi %mul3A_182, %add3A_184 : vector<16xi32>
        %gather3A_186 = tpu.vector_load_idx %arg14[%add3A_185] : memref<256xf32, #tpu.memory_space<vmem>>[vector<16xi32>], vector<16xf32>,
        %add3A_187 = arith.addf %add3A_179, %gather3A_186 : vector<16xf32>
        %mul3A_188 = arith.constant 16 : i32
        %mul3A_189 = vector.broadcast %mul3A_188 : i32 to vector<16xi32>
        %mul3A_190 = arith.muli %iota3A, %mul3A_189 : vector<16xi32>
        %add3A_191 = arith.constant 15 : i32
        %add3A_192 = vector.broadcast %add3A_191 : i32 to vector<16xi32>
        %add3A_193 = arith.addi %mul3A_190, %add3A_192 : vector<16xi32>
        %gather3A_194 = tpu.vector_load_idx %arg14[%add3A_193] : memref<256xf32, #tpu.memory_space<vmem>>[vector<16xi32>], vector<16xf32>,
        %add3A_195 = arith.addf %add3A_187, %gather3A_194 : vector<16xf32>
        %add3A_196 = vector.broadcast %mul3A_61 : i32 to vector<16xi32>
        %add3A_197 = arith.addi %add3A_196, %iota3A : vector<16xi32>
        %exp3A = math.exp %add3A_195 : vector<16xf32>
        tpu.vector_store_idx %arg13[%add3A_197], %exp3A : memref<128xf32, #tpu.memory_space<vmem>>[vector<16xi32>], vector<16xf32>,
      }
      %scan3A_58 = arith.constant 8 : i32
      "tpu.region"() ({
        %run_scoped3A = tpu.sem_alloc : memref<!tpu.dma_semaphore, #tpu.memory_space<semaphore_mem>>
        %dma_start3A_59 = tpu.memref_slice %arg7[%add3A_42] : memref<163840xf32, #tpu.memory_space<hbm>> -> memref<128xf32, #tpu.memory_space<hbm>>
        %dma_start3A_60 = tpu.memref_slice %arg7[%add3A_42] : memref<163840xf32, #tpu.memory_space<hbm>> -> memref<128xf32, #tpu.memory_space<hbm>>
        tpu.enqueue_dma source(%arg13 : memref<128xf32, #tpu.memory_space<vmem>>) target(%dma_start3A_60 : memref<128xf32, #tpu.memory_space<hbm>>) target_semaphore(%run_scoped3A : memref<!tpu.dma_semaphore, #tpu.memory_space<semaphore_mem>>)
        %dma_wait3A_61 = tpu.memref_slice %arg7[%add3A_42] : memref<163840xf32, #tpu.memory_space<hbm>> -> memref<128xf32, #tpu.memory_space<hbm>>
        %dma_wait3A_62 = tpu.memref_slice %arg7[%add3A_42] : memref<163840xf32, #tpu.memory_space<hbm>> -> memref<128xf32, #tpu.memory_space<hbm>>
        tpu.wait_dma2 semaphore(%run_scoped3A : memref<!tpu.dma_semaphore, #tpu.memory_space<semaphore_mem>>) src(%arg13 : memref<128xf32, #tpu.memory_space<vmem>>) dst(%dma_wait3A_62 : memref<128xf32, #tpu.memory_space<hbm>>)
        tpu.yield
      }) : () -> ()
    }
    %scan3A_38 = arith.constant 40 : i32
    return
  }
}

module attributes {stable_mosaic.version = 14 : i64} {
  func.func @_k1_body(%arg0: i32, %arg1: memref<400x256xf32, #tpu.memory_space<vmem>>, %arg2: memref<256x256xf32, #tpu.memory_space<vmem>>, %arg3: memref<256x256xf32, #tpu.memory_space<vmem>>, %arg4: memref<256x256xf32, #tpu.memory_space<vmem>>, %arg5: memref<1x256xf32, #tpu.memory_space<vmem>>, %arg6: memref<1x256xf32, #tpu.memory_space<vmem>>, %arg7: memref<400x256xf32, #tpu.memory_space<vmem>>, %arg8: memref<400x256xf32, #tpu.memory_space<vmem>>, %arg9: memref<400x128xf32, #tpu.memory_space<vmem>>, %arg10: memref<400x128xf32, #tpu.memory_space<vmem>>) attributes {dimension_semantics = [#tpu.dimension_semantics<arbitrary>], iteration_bounds = array<i64: 25>, scalar_prefetch = 0 : i64, scratch_operands = 0 : i64, tpu.core_type = #tpu.core_type<tc>, window_params = [{transform_indices = @transform_0, window_bounds = array<i64: 400, 256>}, {pipeline_mode = #tpu.pipeline_mode<synchronous>, transform_indices = @transform_1, window_bounds = array<i64: 256, 256>}, {pipeline_mode = #tpu.pipeline_mode<synchronous>, transform_indices = @transform_2, window_bounds = array<i64: 256, 256>}, {pipeline_mode = #tpu.pipeline_mode<synchronous>, transform_indices = @transform_3, window_bounds = array<i64: 256, 256>}, {pipeline_mode = #tpu.pipeline_mode<synchronous>, transform_indices = @transform_4, window_bounds = array<i64: 1, 256>}, {pipeline_mode = #tpu.pipeline_mode<synchronous>, transform_indices = @transform_5, window_bounds = array<i64: 1, 256>}, {transform_indices = @transform_6, window_bounds = array<i64: 400, 256>}, {transform_indices = @transform_7, window_bounds = array<i64: 400, 256>}, {transform_indices = @transform_8, window_bounds = array<i64: 400, 128>}, {transform_indices = @transform_9, window_bounds = array<i64: 400, 128>}]} {
    %get3A = arith.constant 0 : index
    %get3A_0 = arith.constant 0 : index
    %get3A_1 = vector.load %arg1[%get3A, %get3A_0] : memref<400x256xf32, #tpu.memory_space<vmem>>, vector<400x256xf32>
    %get3A_2 = arith.constant 0 : index
    %get3A_3 = arith.constant 0 : index
    %get3A_4 = vector.load %arg2[%get3A_2, %get3A_3] : memref<256x256xf32, #tpu.memory_space<vmem>>, vector<256x256xf32>
    %dot_general3A = arith.constant dense<0.000000e+00> : vector<400x256xf32>
    %dot_general3A_5 = tpu.matmul %get3A_1, %get3A_4, %dot_general3A {dimension_numbers = #tpu.dot_dimension_numbers<[1], [0], [0], [1], [0, 0, 1, 1], [], []>, transpose_lhs_hint = false} : vector<400x256xf32>, vector<256x256xf32>, vector<400x256xf32> -> vector<400x256xf32>
    %swap3A = arith.constant 0 : index
    %swap3A_6 = arith.constant 0 : index
    %swap3A_7 = vector.load %arg7[%swap3A, %swap3A_6] : memref<400x256xf32, #tpu.memory_space<vmem>>, vector<400x256xf32>
    tpu.vector_store %arg7[%swap3A, %swap3A_6], %dot_general3A_5 {strides = array<i32>} : memref<400x256xf32, #tpu.memory_space<vmem>>, vector<400x256xf32>,
    %get3A_8 = arith.constant 0 : index
    %get3A_9 = arith.constant 0 : index
    %get3A_10 = vector.load %arg3[%get3A_8, %get3A_9] : memref<256x256xf32, #tpu.memory_space<vmem>>, vector<256x256xf32>
    %dot_general3A_11 = arith.constant dense<0.000000e+00> : vector<400x256xf32>
    %dot_general3A_12 = tpu.matmul %get3A_1, %get3A_10, %dot_general3A_11 {dimension_numbers = #tpu.dot_dimension_numbers<[1], [0], [0], [1], [0, 0, 1, 1], [], []>, transpose_lhs_hint = false} : vector<400x256xf32>, vector<256x256xf32>, vector<400x256xf32> -> vector<400x256xf32>
    %get3A_13 = arith.constant 0 : index
    %get3A_14 = arith.constant 0 : index
    %get3A_15 = vector.load %arg5[%get3A_13, %get3A_14] : memref<1x256xf32, #tpu.memory_space<vmem>>, vector<1x256xf32>
    %add3A = vector.broadcast %get3A_15 : vector<1x256xf32> to vector<400x256xf32>
    %add3A_16 = arith.addf %dot_general3A_12, %add3A : vector<400x256xf32>
    %swap3A_17 = arith.constant 0 : index
    %swap3A_18 = arith.constant 0 : index
    %swap3A_19 = vector.load %arg8[%swap3A_17, %swap3A_18] : memref<400x256xf32, #tpu.memory_space<vmem>>, vector<400x256xf32>
    tpu.vector_store %arg8[%swap3A_17, %swap3A_18], %add3A_16 {strides = array<i32>} : memref<400x256xf32, #tpu.memory_space<vmem>>, vector<400x256xf32>,
    %get3A_20 = arith.constant 0 : index
    %get3A_21 = arith.constant 0 : index
    %get3A_22 = vector.load %arg4[%get3A_20, %get3A_21] : memref<256x256xf32, #tpu.memory_space<vmem>>, vector<256x256xf32>
    %dot_general3A_23 = arith.constant dense<0.000000e+00> : vector<400x256xf32>
    %dot_general3A_24 = tpu.matmul %get3A_1, %get3A_22, %dot_general3A_23 {dimension_numbers = #tpu.dot_dimension_numbers<[1], [0], [0], [1], [0, 0, 1, 1], [], []>, transpose_lhs_hint = false} : vector<400x256xf32>, vector<256x256xf32>, vector<400x256xf32> -> vector<400x256xf32>
    %get3A_25 = arith.constant 0 : index
    %get3A_26 = arith.constant 0 : index
    %get3A_27 = vector.load %arg6[%get3A_25, %get3A_26] : memref<1x256xf32, #tpu.memory_space<vmem>>, vector<1x256xf32>
    %add3A_28 = vector.broadcast %get3A_27 : vector<1x256xf32> to vector<400x256xf32>
    %add3A_29 = arith.addf %dot_general3A_24, %add3A_28 : vector<400x256xf32>
    %slice3A = vector.extract_strided_slice %add3A_29 {offsets = [0, 0], sizes = [400, 128], strides = [1, 1]} : vector<400x256xf32> to vector<400x128xf32>
    %swap3A_30 = arith.constant 0 : index
    %swap3A_31 = arith.constant 0 : index
    %swap3A_32 = vector.load %arg9[%swap3A_30, %swap3A_31] : memref<400x128xf32, #tpu.memory_space<vmem>>, vector<400x128xf32>
    tpu.vector_store %arg9[%swap3A_30, %swap3A_31], %slice3A {strides = array<i32>} : memref<400x128xf32, #tpu.memory_space<vmem>>, vector<400x128xf32>,
    %slice3A_33 = vector.extract_strided_slice %add3A_29 {offsets = [0, 128], sizes = [400, 128], strides = [1, 1]} : vector<400x256xf32> to vector<400x128xf32>
    %swap3A_34 = arith.constant 0 : index
    %swap3A_35 = arith.constant 0 : index
    %swap3A_36 = vector.load %arg10[%swap3A_34, %swap3A_35] : memref<400x128xf32, #tpu.memory_space<vmem>>, vector<400x128xf32>
    tpu.vector_store %arg10[%swap3A_34, %swap3A_35], %slice3A_33 {strides = array<i32>} : memref<400x128xf32, #tpu.memory_space<vmem>>, vector<400x128xf32>,
    return
  }
  func.func @transform_0(%arg0: i32) -> (i32, i32) {
    %c0_i32 = arith.constant 0 : i32
    %c0_i32_0 = arith.constant 0 : i32
    return %arg0, %c0_i32 : i32, i32
  }
  func.func @transform_1(%arg0: i32) -> (i32, i32) {
    %c0_i32 = arith.constant 0 : i32
    %c0_i32_0 = arith.constant 0 : i32
    %c0_i32_1 = arith.constant 0 : i32
    return %c0_i32, %c0_i32_0 : i32, i32
  }
  func.func @transform_2(%arg0: i32) -> (i32, i32) {
    %c0_i32 = arith.constant 0 : i32
    %c0_i32_0 = arith.constant 0 : i32
    %c0_i32_1 = arith.constant 0 : i32
    return %c0_i32, %c0_i32_0 : i32, i32
  }
  func.func @transform_3(%arg0: i32) -> (i32, i32) {
    %c0_i32 = arith.constant 0 : i32
    %c0_i32_0 = arith.constant 0 : i32
    %c0_i32_1 = arith.constant 0 : i32
    return %c0_i32, %c0_i32_0 : i32, i32
  }
  func.func @transform_4(%arg0: i32) -> (i32, i32) {
    %c0_i32 = arith.constant 0 : i32
    %c0_i32_0 = arith.constant 0 : i32
    %c0_i32_1 = arith.constant 0 : i32
    return %c0_i32, %c0_i32_0 : i32, i32
  }
  func.func @transform_5(%arg0: i32) -> (i32, i32) {
    %c0_i32 = arith.constant 0 : i32
    %c0_i32_0 = arith.constant 0 : i32
    %c0_i32_1 = arith.constant 0 : i32
    return %c0_i32, %c0_i32_0 : i32, i32
  }
  func.func @transform_6(%arg0: i32) -> (i32, i32) {
    %c0_i32 = arith.constant 0 : i32
    %c0_i32_0 = arith.constant 0 : i32
    return %arg0, %c0_i32 : i32, i32
  }
  func.func @transform_7(%arg0: i32) -> (i32, i32) {
    %c0_i32 = arith.constant 0 : i32
    %c0_i32_0 = arith.constant 0 : i32
    return %arg0, %c0_i32 : i32, i32
  }
  func.func @transform_8(%arg0: i32) -> (i32, i32) {
    %c0_i32 = arith.constant 0 : i32
    %c0_i32_0 = arith.constant 0 : i32
    return %arg0, %c0_i32 : i32, i32
  }
  func.func @transform_9(%arg0: i32) -> (i32, i32) {
    %c0_i32 = arith.constant 0 : i32
    %c0_i32_0 = arith.constant 0 : i32
    return %arg0, %c0_i32 : i32, i32
  }
}

module attributes {stable_mosaic.version = 14 : i64} {
  func.func @_k5_body(%arg0: i32, %arg1: memref<400x128xf32, #tpu.memory_space<vmem>>, %arg2: memref<400x128xf32, #tpu.memory_space<vmem>>, %arg3: memref<400x1xf32, #tpu.memory_space<vmem>>, %arg4: memref<400x256xf32, #tpu.memory_space<vmem>>) attributes {dimension_semantics = [#tpu.dimension_semantics<arbitrary>], iteration_bounds = array<i64: 25>, scalar_prefetch = 0 : i64, scratch_operands = 0 : i64, tpu.core_type = #tpu.core_type<tc>, window_params = [{transform_indices = @transform_0, window_bounds = array<i64: 400, 128>}, {transform_indices = @transform_1, window_bounds = array<i64: 400, 128>}, {transform_indices = @transform_2, window_bounds = array<i64: 400, 1>}, {transform_indices = @transform_3, window_bounds = array<i64: 400, 256>}]} {
    %get3A = arith.constant 0 : index
    %get3A_0 = arith.constant 0 : index
    %get3A_1 = vector.load %arg3[%get3A, %get3A_0] : memref<400x1xf32, #tpu.memory_space<vmem>>, vector<400x1xf32>
    %gt3A = arith.constant 0.000000e+00 : f32
    %gt3A_2 = vector.broadcast %gt3A : f32 to vector<400x1xf32>
    %gt3A_3 = arith.cmpf ogt, %get3A_1, %gt3A_2 : vector<400x1xf32>
    %div3A = arith.constant 1.000000e+00 : f32
    %div3A_4 = vector.broadcast %div3A : f32 to vector<400x1xf32>
    %div3A_5 = arith.divf %div3A_4, %get3A_1 : vector<400x1xf32>
    %jit3A = arith.constant 0.000000e+00 : f32
    %broadcast_in_dim3A = vector.broadcast %jit3A : f32 to vector<400x1xf32>
    %select_n3A = arith.select %gt3A_3, %div3A_5, %broadcast_in_dim3A : vector<400x1xi1>, vector<400x1xf32>
    %get3A_6 = arith.constant 0 : index
    %get3A_7 = arith.constant 0 : index
    %get3A_8 = vector.load %arg1[%get3A_6, %get3A_7] : memref<400x128xf32, #tpu.memory_space<vmem>>, vector<400x128xf32>
    %max3A = arith.constant 0.000000e+00 : f32
    %max3A_9 = vector.broadcast %max3A : f32 to vector<400x128xf32>
    %max3A_10 = arith.maximumf %get3A_8, %max3A_9 : vector<400x128xf32>
    %mul3A = vector.broadcast %select_n3A : vector<400x1xf32> to vector<400x128xf32>
    %mul3A_11 = arith.mulf %max3A_10, %mul3A : vector<400x128xf32>
    %swap3A = arith.constant 0 : index
    %swap3A_12 = arith.constant 0 : index
    %swap3A_13 = vector.load %arg4[%swap3A, %swap3A_12] : memref<400x256xf32, #tpu.memory_space<vmem>>, vector<400x128xf32>
    tpu.vector_store %arg4[%swap3A, %swap3A_12], %mul3A_11 {strides = array<i32>} : memref<400x256xf32, #tpu.memory_space<vmem>>, vector<400x128xf32>,
    %get3A_14 = arith.constant 0 : index
    %get3A_15 = arith.constant 0 : index
    %get3A_16 = vector.load %arg2[%get3A_14, %get3A_15] : memref<400x128xf32, #tpu.memory_space<vmem>>, vector<400x128xf32>
    %max3A_17 = arith.constant 0.000000e+00 : f32
    %max3A_18 = vector.broadcast %max3A_17 : f32 to vector<400x128xf32>
    %max3A_19 = arith.maximumf %get3A_16, %max3A_18 : vector<400x128xf32>
    %mul3A_20 = vector.broadcast %select_n3A : vector<400x1xf32> to vector<400x128xf32>
    %mul3A_21 = arith.mulf %max3A_19, %mul3A_20 : vector<400x128xf32>
    %swap3A_22 = arith.constant 0 : index
    %swap3A_23 = arith.constant 128 : index
    %swap3A_24 = vector.load %arg4[%swap3A_22, %swap3A_23] : memref<400x256xf32, #tpu.memory_space<vmem>>, vector<400x128xf32>
    tpu.vector_store %arg4[%swap3A_22, %swap3A_23], %mul3A_21 {strides = array<i32>} : memref<400x256xf32, #tpu.memory_space<vmem>>, vector<400x128xf32>,
    return
  }
  func.func @transform_0(%arg0: i32) -> (i32, i32) {
    %c0_i32 = arith.constant 0 : i32
    %c0_i32_0 = arith.constant 0 : i32
    return %arg0, %c0_i32 : i32, i32
  }
  func.func @transform_1(%arg0: i32) -> (i32, i32) {
    %c0_i32 = arith.constant 0 : i32
    %c0_i32_0 = arith.constant 0 : i32
    return %arg0, %c0_i32 : i32, i32
  }
  func.func @transform_2(%arg0: i32) -> (i32, i32) {
    %c0_i32 = arith.constant 0 : i32
    %c0_i32_0 = arith.constant 0 : i32
    return %arg0, %c0_i32 : i32, i32
  }
  func.func @transform_3(%arg0: i32) -> (i32, i32) {
    %c0_i32 = arith.constant 0 : i32
    %c0_i32_0 = arith.constant 0 : i32
    return %arg0, %c0_i32 : i32, i32
  }
}

</mosaic_0001>

<sc_bundles>
// kernel: kernel.6.cloned.1.call-start
scs
__scs_entry_jumppad:
0x0: {  	(pc) =	sbr.rel $0x88, $3  }
0x1: {  	(tag) =	ssettag $0x0;
	lr =	simm.s32 $0x1  }
0x2: {  	[smem:$0x3F9A] =	sst lr;
	_ =	strace $0xD0000000  }
0x3: {  	_ = 	snop  }
0x4: {  	_ = 	snop  }
0x5: {  	_ = 	snop  }
0x6: {  	_ = 	snop  }
0x7: {  	_ = 	snop  }
__scs_overlays_trampoline_lowered:
0x8: {  	[smem:$0x3FA9] =	sst s0  }
0x9: {  	[smem:$0x3FAA] =	sst s1  }
0xa: {  	[smem:$0x3FAB] =	sst s2  }
0xb: {  	[smem:$0x3FAC] =	sst s3  }
0xc: {  	[smem:$0x3FAD] =	sst s4  }
0xd: {  	[smem:$0x3FAE] =	sst s5  }
0xe: {  	[smem:$0x3FAF] =	sst s6  }
0xf: {  	[smem:$0x3FB0] =	sst s7  }
0x10: {  	[smem:$0x3FB1] =	sst s8  }
0x11: {  	[smem:$0x3FB2] =	sst s9;
	s0 =	simm.s32 @!p0 $0x0  }
0x12: {  	s1 =	sld [smem:$0x3F98];
	s0 =	simm.s32 @p0 $0x1  }
0x13: {  	[smem:$0x3FB3] =	sst s0;
	s0 =	simm.s32 @!p1 $0x0  }
0x14: {  	s2 =	sld [smem:$0x3F97];
	s0 =	simm.s32 @p1 $0x1  }
0x15: {  	[smem:$0x3FB4] =	sst s0;
	s0 =	simm.s32 @!p2 $0x0  }
0x16: {  	s3 =	sld [smem:$0x3FDB];
	s0 =	simm.s32 @p2 $0x1  }
0x17: {  	s4 =	simm.s32 $0x1BF5;
	[smem:$0x3FB6] =	sst s0  }
0x18: {  	s0 =	sld [smem:$0x3F99];
	_ =	swait.ge [sflag:s4], $0x0  }
0x19: {  	s7 =	sld [smem:$0x3F9A]  }
0x1a: {  	s8 =	sadd.s32 $0xFFFFE003, lr  }
0x1b: {  	s9 =	sadd.s32 $0xFFFFFEF7, lr;
	s5 =	simm.s32 $0xFFFFFFFF;
	p2 =	slt.u32 s8, $0xFFFFF086  }
0x1c: {  	p1 =	slt.u32 s9, $0xF7A;
	s5 =	simm.s32 @!p2 $0x0  }
0x1d: {  	s5 =	simm.s32 @p1 $0x1;
	p0 =	seq.s32 s7, s2  }
0x1e: {  	s7 =	smul.u32 @!p0 $0xF7A, s2;
	p2 =	seq.s32 @!p0 s5, $0x0  }
0x1f: {  	s9 =	smul.u32 $0xF7A, s1;
	s8 =	simm.s32 @!p0 $0x1BF5;
	p2 =	por !p2, p0  }
0x20: {  	[sflag:s8] =	ssyncset.s32 @!p0 $0xFFFFF086;
	s6 =	sadd.s32 @!p0 s3, s7;
	s7 =	simm.s32 @!p0 $0x108  }
0x21: {  	s3 =	sadd.s32 s3, s9;
	s6 =	sadd.s32 @!p0 $0x88, s6;
	s7 =	simm.s32 @p2 $0x1082  }
0x22: {  	[simem:s7], [sflag:s8] =	dma.local @!p0 [hbm:s6], $0xF7A  }
0x23: {  	s9 =	sor.u32 $0xD0000000, s2;
	s6 =	simm.s32 $0x108;
	_ =	swait.ge @!p0 [sflag:s8], $0x0  }
0x24: {  	s3 =	sadd.s32 $0x88, s3;
	s6 =	simm.s32 @!p1 $0x1082;
	[sflag:s4] =	ssyncset.s32 $0xFFFFF086  }
0x25: {  	[simem:s6], [sflag:s4] =	dma.local [hbm:s3], $0xF7A  }
0x26: {  	[smem:$0x3F9A] =	sst s1;
	(tag) =	ssettag s2;
	_ =	strace s9  }
0x27: {  	s1 =	sld [smem:$0x3FAA]  }
0x28: {  	s2 =	sld [smem:$0x3FAB]  }
0x29: {  	s4 =	sld [smem:$0x3FAD]  }
0x2a: {  	p0 =	seq.s32 s5, $0x0;
	s5 =	sld [smem:$0x3FAE]  }
0x2b: {  	s6 =	sld [smem:$0x3FAF]  }
0x2c: {  	s7 =	sld [smem:$0x3FB0]  }
0x2d: {  	s3 =	simm.s32 $0x108;
	s8 =	sld [smem:$0x3FB1]  }
0x2e: {  	s3 =	simm.s32 @!p0 $0x1082;
	s9 =	sld [smem:$0x3FB2]  }
0x2f: {  	lr =	sadd.s32 s0, s3;
	s0 =	sld [smem:$0x3FA9]  }
0x30: {  	s3 =	sld [smem:$0x3FAC]  }
0x31: {  	[smem:$0x3FB5] =	sst s10  }
0x32: {  	s10 =	sld [smem:$0x3FB3];
	_ =	sdelay $0x3  }
0x33: {  	p0 =	seq.s32 s10, $0x1;
	s10 =	sld [smem:$0x3FB5];
	_ =	sdelay $0x3  }
0x34: {  	[smem:$0x3FB5] =	sst s10  }
0x35: {  	s10 =	sld [smem:$0x3FB4];
	_ =	sdelay $0x3  }
0x36: {  	p1 =	seq.s32 s10, $0x1;
	s10 =	sld [smem:$0x3FB5];
	_ =	sdelay $0x3  }
0x37: {  	[smem:$0x3FB5] =	sst s10  }
0x38: {  	s10 =	sld [smem:$0x3FB6]  }
0x39: {  	_ = 	snop;
	(pc) =	sbr.ind lr, $3  }
0x3a: {  	_ = 	snop  }
0x3b: {  	_ = 	snop  }
0x3c: {  	p2 =	seq.s32 s10, $0x1;
	s10 =	sld [smem:$0x3FB5]  }
0x3d: {  	_ =	shalt  }
0x3e: {  	_ =	shalt  }
0x3f: {  	_ =	shalt  }
0x40: {  	_ =	shalt  }
0x41: {  	_ =	shalt  }
0x42: {  	_ =	shalt  }
0x43: {  	_ =	shalt  }
0x44: {  	_ =	shalt  }
0x45: {  	_ =	shalt  }
0x46: {  	_ =	shalt  }
0x47: {  	_ =	shalt  }
0x48: {  	_ =	shalt  }
0x49: {  	_ =	shalt  }
0x4a: {  	_ =	shalt  }
0x4b: {  	_ =	shalt  }
0x4c: {  	_ =	shalt  }
0x4d: {  	_ =	shalt  }
0x4e: {  	_ =	shalt  }
0x4f: {  	_ =	shalt  }
0x50: {  	_ =	shalt  }
0x51: {  	_ =	shalt  }
0x52: {  	_ =	shalt  }
0x53: {  	_ =	shalt  }
0x54: {  	_ =	shalt  }
0x55: {  	_ =	shalt  }
0x56: {  	_ =	shalt  }
0x57: {  	_ =	shalt  }
0x58: {  	_ =	shalt  }
0x59: {  	_ =	shalt  }
0x5a: {  	_ =	shalt  }
0x5b: {  	_ =	shalt  }
0x5c: {  	_ =	shalt  }
0x5d: {  	_ =	shalt  }
0x5e: {  	_ =	shalt  }
0x5f: {  	_ =	shalt  }
0x60: {  	_ =	shalt  }
0x61: {  	_ =	shalt  }
0x62: {  	_ =	shalt  }
0x63: {  	_ =	shalt  }
0x64: {  	_ =	shalt  }
0x65: {  	_ =	shalt  }
0x66: {  	_ =	shalt  }
0x67: {  	_ =	shalt  }
0x68: {  	_ =	shalt  }
0x69: {  	_ =	shalt  }
0x6a: {  	_ =	shalt  }
0x6b: {  	_ =	shalt  }
0x6c: {  	_ =	shalt  }
0x6d: {  	_ =	shalt  }
0x6e: {  	_ =	shalt  }
0x6f: {  	_ =	shalt  }
0x70: {  	_ =	shalt  }
0x71: {  	_ =	shalt  }
0x72: {  	_ =	shalt  }
0x73: {  	_ =	shalt  }
0x74: {  	_ =	shalt  }
0x75: {  	_ =	shalt  }
0x76: {  	_ =	shalt  }
0x77: {  	_ =	shalt  }
0x78: {  	_ =	shalt  }
0x79: {  	_ =	shalt  }
0x7a: {  	_ =	shalt  }
0x7b: {  	_ =	shalt  }
0x7c: {  	_ =	shalt  }
0x7d: {  	_ =	shalt  }
0x7e: {  	_ =	shalt  }
0x7f: {  	_ =	shalt  }
0x80: {  	_ =	shalt  }
0x81: {  	_ =	shalt  }
0x82: {  	_ =	shalt  }
0x83: {  	_ =	shalt  }
0x84: {  	_ =	shalt  }
0x85: {  	_ =	shalt  }
0x86: {  	_ =	shalt  }
0x87: {  	_ =	shalt  }
.Lfunc_end0:
.L_simem_size_0:
called_computation_lowered:
.L_overlay_start_0:
0x88: {  	s2 =	sld [smem:$0x3FD9]  }
0x89: {  	s3 =	sld [smem:$0x3FFE];
	_ =	sdelay $0x1  }
0x8a: {  	s1 =	srdreg.scid  }
0x8b: {  	s0 =	sand.u32 $0x1, s1  }
0x8c: {  	s17 =	sshll.u32 s0, $0xA;
	s2 =	sadd.s32 s3, s2  }
0x8d: {  	s2 =	sadd.s32 s2, s17  }
0x8e: {  	[smem:$0x3FC1] =	sst s2  }
0x8f: {  	_ = 	snop  }
0x90: {  	s2 =	sld [smem:$0x3FC5]  }
0x91: {  	s18 =	sld [smem:$0x3FD0];
	(tm) =	ssettm $0x1  }
0x92: {  	s4 =	sld [smem:$0x3FFB];
	_ =	sdelay $0x3  }
0x93: {  	_ =	strace s4  }
0x94: {  	s4 =	sld [smem:$0x3FFC];
	_ =	sdelay $0x3  }
0x95: {  	_ =	strace s4  }
0x96: {  	s4 =	sld [smem:$0x3FFD];
	_ =	sdelay $0x3  }
0x97: {  	_ =	strace s4  }
0x98: {  	_ =	strace $0x8FFFFFFF  }
0x99: {  	s19 =	sld [smem:$0x3FDB];
	_ =	sdelay $0x1  }
0x9a: {  	s5 =	simm.s32 $_scs_section_size  }
0x9b: {  	s6 =	simm.s32 $_size__tile_overlayer_lowered;
	s7 =	simm.s32 $_tile_overlayer_lowered  }
0x9c: {  	s22 =	simm.s32 $0x1BFF;
	s21 =	sshll.u32 s7, $0x1;
	s4 =	sadd.s32 s5, s19  }
0x9d: {  	s8 =	simm.s32 $0x0;
	s20 =	sshll.u32 s6, $0x1;
	s6 =	sadd.s32 s21, s4  }
0x9e: {  	[timem:s8], [sflag:s22] =	dma.local [hbm:s6], s20  }
0x9f: {  	_ =	swait.ge [sflag:s22], s20  }
0xa0: {  	s5 =	ssub.s32 $0x0, s20;
	[sflag:s22] =	ssyncset.done $0x0  }
0xa1: {  	[sflag:s22] =	ssyncadd.s32 s5;
	_ =	sdelay $0x1  }
0xa2: {  	s23 =	simm.s32 $0x1B8B  }
0xa3: {  	_ =	swait.ge [sflag:s23], $0x1  }
0xa4: {  	[sflag:s23] =	ssyncset.done $0x0  }
0xa5: {  	s25 =	simm.s32 $0x1B8E;
	s24 =	sld [smem:$0x3FFE];
	[sflag:s23] =	ssyncadd.s32 $0xFFFFFFFF  }
0xa6: {  	s26 =	simm.s32 $execute0_lowered;
	[smem:$0x3FD2] =	sst s25  }
0xa7: {  	s6 =	sshll.u32 s26, $0x1;
	_ =	strace $0x80000046;
	[dreg:$0x1] =	wrdreg $0xFFFFFFFF  }
0xa8: {  	s28 =	simm.s32 $_size_execute0_lowered;
	s4 =	sadd.s32 s4, s6;
	[dreg:$0x0] =	wrdreg $0x0  }
0xa9: {  	s6 =	sshll.u32 s28, $0x1;
	[dreg:$0x2] =	wrdreg s4  }
0xaa: {  	[dreg:$0x3] =	wrdreg s6  }
0xab: {  	[dreg:$0x4] =	wrdreg $0xC0  }
0xac: {  	_ =	task [dreg:s8], $0x5FFFF  }
0xad: {  	[dreg:$0x1] =	wrdreg $0xFFFFFFFF  }
0xae: {  	[dreg:$0x0] =	wrdreg $0x60  }
0xaf: {  	[dreg:$0x2] =	wrdreg s24  }
0xb0: {  	[dreg:$0x3] =	wrdreg s18  }
0xb1: {  	[dreg:$0x4] =	wrdreg s2  }
0xb2: {  	[dreg:$0x5] =	wrdreg $0x9  }
0xb3: {  	_ =	task.clear_ibuf [dreg:s8], $0x6FFFF;
	_ =	strace $0x90000046  }
0xb4: {  	s29 =	simm.s32 $0x9;
	_ =	strace $0x80000048  }
0xb5: {  	_ =	swait.ge [sflag:s29], $0x1  }
0xb6: {  	[sflag:s29] =	ssyncadd.s32 $0xFFFFFFFF  }
0xb7: {  	_ =	strace $0x90000048  }
0xb8: {  	_ =	sfence  }
0xb9: {  	s30 =	sld [smem:$0x0];
	_ =	sdelay $0x2  }
0xba: {  	s31 =	sshll.u32 s1, $0xD;
	s1 =	sshrl.u32 s1, $0x2  }
0xbb: {  	s3 =	sand.u32 $0x4000, s31;
	s1 =	sadd.s32 s1, s30  }
0xbc: {  	s0 =	sor.u32 s3, s0;
	s1 =	sshll.u32 s1, $0x11  }
0xbd: {  	s0 =	sor.u32 s1, s0  }
0xbe: {  	s0 =	sadd.s32 $0x8F2B, s0  }
0xbf: {  	[sflag:s0] =	ssyncadd.remote.s32 $0x1  }
0xc0: {  	_ =	sfence.sel $0xFFFF  }
0xc1: {  	[dreg:$0x0] =	wrdreg $0xFFFFFFFF;
	(pc) =	sbr.abs _section_cstart, $3  }
0xc2: {  	[dreg:$0x1] =	wrdreg $0xFFFFFFFF  }
0xc3: {  	_ =	task.clear_ibuf [dreg:s8], $0x2FFFF;
	_ =	strace $0x9FFFFFFF  }
0xc4: {  	(tm) =	ssettm $0x7FFFFFFF  }
0xc5: {  	_ =	shalt  }
tec
execute0_lowered:
.L_overlay_start_1:
0x0: {  	(tag) =	ssettag $0x1  }
0x1: {  	s0 =	rddreg [dreg:$0x0]  }
0x2: {  	s1 =	rddreg [dreg:$0x1];
	s2 =	simm.s32 $0x0  }
0x3: {  	s30 =	srdreg.scid;
	s8 =	stileid.u32;
	s11 =	simm.s32 $0x3  }
0x4: {  	s14 =	simm.s32 $0xBA00;
	s15 =	simm.s32 $0xC200;
	s16 =	simm.s32 $0xCA00  }
0x5: {  	s17 =	simm.s32 $0xD200;
	s18 =	simm.s32 $0xDA00;
	s19 =	simm.s32 $0xEA00  }
0x6: {  	s20 =	simm.s32 $0xF200;
	s21 =	simm.s32 $0xFA00;
	s22 =	simm.s32 $0x1  }
0x7: {  	v0 =	vlaneseq.u32;
	s23 =	simm.s32 $0x2;
	s24 =	simm.s32 $0x10280;
	s25 =	simm.s32 $0x10200  }
0x8: {  	vm0 =	vmmov $0xffff;
	s29 =	simm.s32 $0x0;
	[smem:$0x7FF] =	sst s2;
	s2 =	sand.u32 $0x1, s30;
	v1 =	vmul.u32 $0x10, v0  }
0x9: {  	s5 =	sadd.s32 $0x10E00, s0;
	s6 =	sadd.s32 $0xBE00, s0;
	v3 =	vshrl.u32 v0, $0x3;
	v2 =	vand.u32 $0x7, v0;
	v4 =	vor.u32 $0x8, v0;
	s3 =	ssub.s32 $0x2, s2  }
0xa: {  	s7 =	sadd.s32 $0x1E00, s0;
	s9 =	sshll.u32 s8, $0x1;
	v3 =	vmul.u32 $0x8, v3;
	s4 =	sshrl.u32 s3, $0x1;
	v5 =	vor.u32 $0x1, v1;
	v6 =	vor.u32 $0x2, v1  }
0xb: {  	s8 =	sadd.s32 $0xAD400, s0;
	s2 =	sor.u32 s2, s9;
	v7 =	vor.u32 $0x3, v1;
	v8 =	vor.u32 $0x4, v1;
	v9 =	vor.u32 $0x5, v1;
	s31 =	ssub.s32 s3, s4  }
0xc: {  	_ =	strace $0x80000047;
	s9 =	smul.u32 $0x28, s2;
	v10 =	vor.u32 $0x6, v1;
	v11 =	vor.u32 $0x7, v1;
	v12 =	vor.u32 $0x8, v1;
	s0 =	smax.u32 s31, $0x1  }
0xd: {  	v13 =	vor.u32 $0x9, v1;
	v14 =	vor.u32 $0xA, v1;
	v15 =	vor.u32 $0xB, v1;
	s2 =	simm.s32 $0x0;
	s3 =	simm.s32 $0xE200;
	[dreg:$0x4] =	wrdreg s0  }
.LBB2_1:
0xe: {  	[dreg:$0x5] =	wrdreg s2  }
0xf: {  	s0 =	rddreg [dreg:$0x2];
	s31 =	simm.s32 $0x0  }
0x10: {  	[tilespmem:s31], [sflag:$0x3] =	stream.linear.gather [hbm4b:s0+s31], $0x100, $0x38;
	[tilespmem:$0x10380] =	vst v63  }
0x11: {  	_ =	swait.ge [sflag:s11], $0x100  }
0x12: {  	[sflag:s11] =	ssyncset.done $0x0  }
0x13: {  	[sflag:s11] =	ssyncadd.s32 $0xFFFFFF00  }
0x14: {  	v16 =	vld [tilespmem:$0x0]  }
0x15: {  	v17 =	vld [tilespmem:$0x10]  }
0x16: {  	v18 =	vld [tilespmem:$0x20]  }
0x17: {  	v19 =	vld [tilespmem:$0x30]  }
0x18: {  	v20 =	vld [tilespmem:$0x40]  }
0x19: {  	v21 =	vld [tilespmem:$0x50]  }
0x1a: {  	v22 =	vld [tilespmem:$0x60]  }
0x1b: {  	v23 =	vld [tilespmem:$0x70]  }
0x1c: {  	v24 =	vld [tilespmem:$0x80]  }
0x1d: {  	v25 =	vld [tilespmem:$0x90]  }
0x1e: {  	v26 =	vld [tilespmem:$0xA0]  }
0x1f: {  	v27 =	vld [tilespmem:$0xB0]  }
0x20: {  	v28 =	vld [tilespmem:$0xC0]  }
0x21: {  	v29 =	vld [tilespmem:$0xD0]  }
0x22: {  	v30 =	vld [tilespmem:$0xE0]  }
0x23: {  	s26 =	simm.s32 $0x0;
	v31 =	vld [tilespmem:$0xF0]  }
.LBB2_2:
0x24: {  	s0 =	sadd.s32 s9, s26  }
0x25: {  	s28 =	sshll.u32 s0, $0x4  }
0x26: {  	s2 =	simm.s32 $0x100;
	s0 =	sadd.s32 s6, s28  }
0x27: {  	[tilespmem:s2], [sflag:$0x3] =	stream.linear.gather [hbm4b:s0+s29], $0x80, $0x38;
	[tilespmem:$0x10380] =	vst v63  }
0x28: {  	_ =	swait.ge [sflag:s11], $0x80  }
0x29: {  	[sflag:s11] =	ssyncset.done $0x0  }
0x2a: {  	s4 =	simm.s32 $0x180;
	s2 =	sadd.s32 s7, s28;
	[sflag:s11] =	ssyncadd.s32 $0xFFFFFF80  }
0x2b: {  	[tilespmem:s4], [sflag:$0x3] =	stream.linear.gather [hbm4b:s2+s29], $0x80, $0x38;
	[tilespmem:$0x10380] =	vst v63  }
0x2c: {  	_ =	swait.ge [sflag:s11], $0x80  }
0x2d: {  	[sflag:s11] =	ssyncset.done $0x0  }
0x2e: {  	[sflag:s11] =	ssyncadd.s32 $0xFFFFFF80  }
0x2f: {  	v32 =	vld [tilespmem:$0x100];
	_ =	sdelay $0x4  }
0x30: {  	v33 =	vshll.u32 v32, $0x1  }
0x31: {  	v32 =	vand.u32 $0x7, v32;
	v33 =	vand.u32 $0xFFFFFFF0, v33  }
0x32: {  	v32 =	vor.u32 v32, v33  }
0x33: {  	v33 =	vperm.xlane v32, v2;
	_ =	sdelay $0x1  }
0x34: {  	v32 =	vperm.xlane v32, v4;
	v33 =	vadd.s32 v3, v33;
	_ =	sdelay $0x1  }
0x35: {  	v32 =	vadd.s32 v3, v32;
	_ =	sdelay $0x1  }
0x36: {  	s10 =	simm.s32 $0x200  }
0x37: {  	[tilespmem:s10], [sflag:$0x1] =	stream.indirect_vreg.gather [hbm4b:s5+s29], $0x80, v33, vm0, $0xb8;
	[tilespmem:$0x10380] =	vst v63  }
0x38: {  	s12 =	simm.s32 $0xA00  }
0x39: {  	[tilespmem:s12], [sflag:$0x1] =	stream.indirect_vreg.gather [hbm4b:s5+s29], $0x80, v32, vm0, $0xb8;
	[tilespmem:$0x10380] =	vst v63  }
0x3a: {  	v32 =	vld [tilespmem:$0x110];
	_ =	sdelay $0x4  }
0x3b: {  	v49 =	vshll.u32 v32, $0x1  }
0x3c: {  	v32 =	vand.u32 $0x7, v32;
	v33 =	vand.u32 $0xFFFFFFF0, v49  }
0x3d: {  	v32 =	vor.u32 v32, v33  }
0x3e: {  	v33 =	vperm.xlane v32, v2;
	_ =	sdelay $0x1  }
0x3f: {  	v32 =	vperm.xlane v32, v4;
	v33 =	vadd.s32 v3, v33;
	_ =	sdelay $0x1  }
0x40: {  	v32 =	vadd.s32 v3, v32;
	_ =	sdelay $0x1  }
0x41: {  	s13 =	simm.s32 $0x1200  }
0x42: {  	[tilespmem:s13], [sflag:$0x1] =	stream.indirect_vreg.gather [hbm4b:s5+s29], $0x80, v33, vm0, $0xb8;
	[tilespmem:$0x10380] =	vst v63  }
0x43: {  	s2 =	simm.s32 $0x1A00  }
0x44: {  	[tilespmem:s2], [sflag:$0x1] =	stream.indirect_vreg.gather [hbm4b:s5+s29], $0x80, v32, vm0, $0xb8;
	[tilespmem:$0x10380] =	vst v63  }
0x45: {  	v32 =	vld [tilespmem:$0x120];
	_ =	sdelay $0x4  }
0x46: {  	v50 =	vshll.u32 v32, $0x1  }
0x47: {  	v32 =	vand.u32 $0x7, v32;
	v33 =	vand.u32 $0xFFFFFFF0, v50  }
0x48: {  	v32 =	vor.u32 v32, v33  }
0x49: {  	v33 =	vperm.xlane v32, v2;
	_ =	sdelay $0x1  }
0x4a: {  	v32 =	vperm.xlane v32, v4;
	v33 =	vadd.s32 v3, v33;
	_ =	sdelay $0x1  }
0x4b: {  	v32 =	vadd.s32 v3, v32;
	_ =	sdelay $0x1  }
0x4c: {  	s4 =	simm.s32 $0x2200  }
0x4d: {  	[tilespmem:s4], [sflag:$0x1] =	stream.indirect_vreg.gather [hbm4b:s5+s29], $0x80, v33, vm0, $0xb8;
	[tilespmem:$0x10380] =	vst v63  }
0x4e: {  	s10 =	simm.s32 $0x2A00  }
0x4f: {  	[tilespmem:s10], [sflag:$0x1] =	stream.indirect_vreg.gather [hbm4b:s5+s29], $0x80, v32, vm0, $0xb8;
	[tilespmem:$0x10380] =	vst v63  }
0x50: {  	v32 =	vld [tilespmem:$0x130];
	_ =	sdelay $0x4  }
0x51: {  	v51 =	vshll.u32 v32, $0x1  }
0x52: {  	v32 =	vand.u32 $0x7, v32;
	v33 =	vand.u32 $0xFFFFFFF0, v51  }
0x53: {  	v32 =	vor.u32 v32, v33  }
0x54: {  	v33 =	vperm.xlane v32, v2;
	_ =	sdelay $0x1  }
0x55: {  	v32 =	vperm.xlane v32, v4;
	v33 =	vadd.s32 v3, v33;
	_ =	sdelay $0x1  }
0x56: {  	v32 =	vadd.s32 v3, v32;
	_ =	sdelay $0x1  }
0x57: {  	s12 =	simm.s32 $0x3200  }
0x58: {  	[tilespmem:s12], [sflag:$0x1] =	stream.indirect_vreg.gather [hbm4b:s5+s29], $0x80, v33, vm0, $0xb8;
	[tilespmem:$0x10380] =	vst v63  }
0x59: {  	s13 =	simm.s32 $0x3A00  }
0x5a: {  	[tilespmem:s13], [sflag:$0x1] =	stream.indirect_vreg.gather [hbm4b:s5+s29], $0x80, v32, vm0, $0xb8;
	[tilespmem:$0x10380] =	vst v63  }
0x5b: {  	v32 =	vld [tilespmem:$0x140];
	_ =	sdelay $0x4  }
0x5c: {  	v52 =	vshll.u32 v32, $0x1  }
0x5d: {  	v32 =	vand.u32 $0x7, v32;
	v33 =	vand.u32 $0xFFFFFFF0, v52  }
0x5e: {  	v32 =	vor.u32 v32, v33  }
0x5f: {  	v33 =	vperm.xlane v32, v2;
	_ =	sdelay $0x1  }
0x60: {  	v32 =	vperm.xlane v32, v4;
	v33 =	vadd.s32 v3, v33;
	_ =	sdelay $0x1  }
0x61: {  	v32 =	vadd.s32 v3, v32;
	_ =	sdelay $0x1  }
0x62: {  	s2 =	simm.s32 $0x4200  }
0x63: {  	[tilespmem:s2], [sflag:$0x1] =	stream.indirect_vreg.gather [hbm4b:s5+s29], $0x80, v33, vm0, $0xb8;
	[tilespmem:$0x10380] =	vst v63  }
0x64: {  	s4 =	simm.s32 $0x4A00  }
0x65: {  	[tilespmem:s4], [sflag:$0x1] =	stream.indirect_vreg.gather [hbm4b:s5+s29], $0x80, v32, vm0, $0xb8;
	[tilespmem:$0x10380] =	vst v63  }
0x66: {  	v32 =	vld [tilespmem:$0x150];
	_ =	sdelay $0x4  }
0x67: {  	v53 =	vshll.u32 v32, $0x1  }
0x68: {  	v32 =	vand.u32 $0x7, v32;
	v33 =	vand.u32 $0xFFFFFFF0, v53  }
0x69: {  	v32 =	vor.u32 v32, v33  }
0x6a: {  	v33 =	vperm.xlane v32, v2;
	_ =	sdelay $0x1  }
0x6b: {  	v32 =	vperm.xlane v32, v4;
	v33 =	vadd.s32 v3, v33;
	_ =	sdelay $0x1  }
0x6c: {  	v32 =	vadd.s32 v3, v32;
	_ =	sdelay $0x1  }
0x6d: {  	s10 =	simm.s32 $0x5200  }
0x6e: {  	[tilespmem:s10], [sflag:$0x1] =	stream.indirect_vreg.gather [hbm4b:s5+s29], $0x80, v33, vm0, $0xb8;
	[tilespmem:$0x10380] =	vst v63  }
0x6f: {  	s12 =	simm.s32 $0x5A00  }
0x70: {  	[tilespmem:s12], [sflag:$0x1] =	stream.indirect_vreg.gather [hbm4b:s5+s29], $0x80, v32, vm0, $0xb8;
	[tilespmem:$0x10380] =	vst v63  }
0x71: {  	v32 =	vld [tilespmem:$0x160];
	_ =	sdelay $0x4  }
0x72: {  	v54 =	vshll.u32 v32, $0x1  }
0x73: {  	v32 =	vand.u32 $0x7, v32;
	v33 =	vand.u32 $0xFFFFFFF0, v54  }
0x74: {  	v32 =	vor.u32 v32, v33  }
0x75: {  	v33 =	vperm.xlane v32, v2;
	_ =	sdelay $0x1  }
0x76: {  	v32 =	vperm.xlane v32, v4;
	v33 =	vadd.s32 v3, v33;
	_ =	sdelay $0x1  }
0x77: {  	v32 =	vadd.s32 v3, v32;
	_ =	sdelay $0x1  }
0x78: {  	s13 =	simm.s32 $0x6200  }
0x79: {  	[tilespmem:s13], [sflag:$0x1] =	stream.indirect_vreg.gather [hbm4b:s5+s29], $0x80, v33, vm0, $0xb8;
	[tilespmem:$0x10380] =	vst v63  }
0x7a: {  	s2 =	simm.s32 $0x6A00  }
0x7b: {  	[tilespmem:s2], [sflag:$0x1] =	stream.indirect_vreg.gather [hbm4b:s5+s29], $0x80, v32, vm0, $0xb8;
	[tilespmem:$0x10380] =	vst v63  }
0x7c: {  	v32 =	vld [tilespmem:$0x170];
	_ =	sdelay $0x4  }
0x7d: {  	v55 =	vshll.u32 v32, $0x1  }
0x7e: {  	v32 =	vand.u32 $0x7, v32;
	v33 =	vand.u32 $0xFFFFFFF0, v55  }
0x7f: {  	v32 =	vor.u32 v32, v33  }
0x80: {  	v33 =	vperm.xlane v32, v2;
	_ =	sdelay $0x1  }
0x81: {  	v32 =	vperm.xlane v32, v4;
	v33 =	vadd.s32 v3, v33;
	_ =	sdelay $0x1  }
0x82: {  	v32 =	vadd.s32 v3, v32;
	_ =	sdelay $0x1  }
0x83: {  	s4 =	simm.s32 $0x7200  }
0x84: {  	[tilespmem:s4], [sflag:$0x1] =	stream.indirect_vreg.gather [hbm4b:s5+s29], $0x80, v33, vm0, $0xb8;
	[tilespmem:$0x10380] =	vst v63  }
0x85: {  	s10 =	simm.s32 $0x7A00  }
0x86: {  	[tilespmem:s10], [sflag:$0x1] =	stream.indirect_vreg.gather [hbm4b:s5+s29], $0x80, v32, vm0, $0xb8;
	[tilespmem:$0x10380] =	vst v63  }
0x87: {  	v32 =	vld [tilespmem:$0x180];
	_ =	sdelay $0x4  }
0x88: {  	v56 =	vshll.u32 v32, $0x1  }
0x89: {  	v32 =	vand.u32 $0x7, v32;
	v33 =	vand.u32 $0xFFFFFFF0, v56  }
0x8a: {  	v32 =	vor.u32 v32, v33  }
0x8b: {  	v33 =	vperm.xlane v32, v2;
	_ =	sdelay $0x1  }
0x8c: {  	v32 =	vperm.xlane v32, v4;
	v33 =	vadd.s32 v3, v33;
	_ =	sdelay $0x1  }
0x8d: {  	v32 =	vadd.s32 v3, v32;
	_ =	sdelay $0x1  }
0x8e: {  	s12 =	simm.s32 $0x8200  }
0x8f: {  	[tilespmem:s12], [sflag:$0x2] =	stream.indirect_vreg.gather [hbm4b:s1+s29], $0x80, v33, vm0, $0xb8;
	[tilespmem:$0x10380] =	vst v63  }
0x90: {  	s13 =	simm.s32 $0x8A00  }
0x91: {  	[tilespmem:s13], [sflag:$0x2] =	stream.indirect_vreg.gather [hbm4b:s1+s29], $0x80, v32, vm0, $0xb8;
	[tilespmem:$0x10380] =	vst v63  }
0x92: {  	v32 =	vld [tilespmem:$0x190];
	_ =	sdelay $0x4  }
0x93: {  	v57 =	vshll.u32 v32, $0x1  }
0x94: {  	v32 =	vand.u32 $0x7, v32;
	v33 =	vand.u32 $0xFFFFFFF0, v57  }
0x95: {  	v32 =	vor.u32 v32, v33  }
0x96: {  	v33 =	vperm.xlane v32, v2;
	_ =	sdelay $0x1  }
0x97: {  	v32 =	vperm.xlane v32, v4;
	v33 =	vadd.s32 v3, v33;
	_ =	sdelay $0x1  }
0x98: {  	v32 =	vadd.s32 v3, v32;
	_ =	sdelay $0x1  }
0x99: {  	s2 =	simm.s32 $0x9200  }
0x9a: {  	[tilespmem:s2], [sflag:$0x2] =	stream.indirect_vreg.gather [hbm4b:s1+s29], $0x80, v33, vm0, $0xb8;
	[tilespmem:$0x10380] =	vst v63  }
0x9b: {  	s4 =	simm.s32 $0x9A00  }
0x9c: {  	[tilespmem:s4], [sflag:$0x2] =	stream.indirect_vreg.gather [hbm4b:s1+s29], $0x80, v32, vm0, $0xb8;
	[tilespmem:$0x10380] =	vst v63  }
0x9d: {  	v32 =	vld [tilespmem:$0x1A0];
	_ =	sdelay $0x4  }
0x9e: {  	v58 =	vshll.u32 v32, $0x1  }
0x9f: {  	v32 =	vand.u32 $0x7, v32;
	v33 =	vand.u32 $0xFFFFFFF0, v58  }
0xa0: {  	v32 =	vor.u32 v32, v33  }
0xa1: {  	v33 =	vperm.xlane v32, v2;
	_ =	sdelay $0x1  }
0xa2: {  	v32 =	vperm.xlane v32, v4;
	v33 =	vadd.s32 v3, v33;
	_ =	sdelay $0x1  }
0xa3: {  	v32 =	vadd.s32 v3, v32;
	_ =	sdelay $0x1  }
0xa4: {  	s10 =	simm.s32 $0xA200  }
0xa5: {  	[tilespmem:s10], [sflag:$0x2] =	stream.indirect_vreg.gather [hbm4b:s1+s29], $0x80, v33, vm0, $0xb8;
	[tilespmem:$0x10380] =	vst v63  }
0xa6: {  	s12 =	simm.s32 $0xAA00  }
0xa7: {  	[tilespmem:s12], [sflag:$0x2] =	stream.indirect_vreg.gather [hbm4b:s1+s29], $0x80, v32, vm0, $0xb8;
	[tilespmem:$0x10380] =	vst v63  }
0xa8: {  	v32 =	vld [tilespmem:$0x1B0];
	_ =	sdelay $0x4  }
0xa9: {  	v59 =	vshll.u32 v32, $0x1  }
0xaa: {  	v32 =	vand.u32 $0x7, v32;
	v33 =	vand.u32 $0xFFFFFFF0, v59  }
0xab: {  	v32 =	vor.u32 v32, v33  }
0xac: {  	v33 =	vperm.xlane v32, v2;
	_ =	sdelay $0x1  }
0xad: {  	v32 =	vperm.xlane v32, v4;
	v33 =	vadd.s32 v3, v33;
	_ =	sdelay $0x1  }
0xae: {  	v32 =	vadd.s32 v3, v32;
	_ =	sdelay $0x1  }
0xaf: {  	s13 =	simm.s32 $0xB200  }
0xb0: {  	[tilespmem:s13], [sflag:$0x2] =	stream.indirect_vreg.gather [hbm4b:s1+s29], $0x80, v33, vm0, $0xb8;
	[tilespmem:$0x10380] =	vst v63  }
0xb1: {  	_ = 	snop  }
0xb2: {  	[tilespmem:s14], [sflag:$0x2] =	stream.indirect_vreg.gather [hbm4b:s1+s29], $0x80, v32, vm0, $0xb8;
	[tilespmem:$0x10380] =	vst v63  }
0xb3: {  	v32 =	vld [tilespmem:$0x1C0];
	_ =	sdelay $0x4  }
0xb4: {  	v60 =	vshll.u32 v32, $0x1  }
0xb5: {  	v32 =	vand.u32 $0x7, v32;
	v33 =	vand.u32 $0xFFFFFFF0, v60  }
0xb6: {  	v32 =	vor.u32 v32, v33  }
0xb7: {  	v33 =	vperm.xlane v32, v2;
	_ =	sdelay $0x1  }
0xb8: {  	v32 =	vperm.xlane v32, v4;
	v33 =	vadd.s32 v3, v33;
	_ =	sdelay $0x1  }
0xb9: {  	v32 =	vadd.s32 v3, v32;
	_ =	sdelay $0x2  }
0xba: {  	[tilespmem:s15], [sflag:$0x2] =	stream.indirect_vreg.gather [hbm4b:s1+s29], $0x80, v33, vm0, $0xb8;
	[tilespmem:$0x10380] =	vst v63  }
0xbb: {  	_ = 	snop  }
0xbc: {  	[tilespmem:s16], [sflag:$0x2] =	stream.indirect_vreg.gather [hbm4b:s1+s29], $0x80, v32, vm0, $0xb8;
	[tilespmem:$0x10380] =	vst v63  }
0xbd: {  	v32 =	vld [tilespmem:$0x1D0];
	_ =	sdelay $0x4  }
0xbe: {  	v61 =	vshll.u32 v32, $0x1  }
0xbf: {  	v32 =	vand.u32 $0x7, v32;
	v33 =	vand.u32 $0xFFFFFFF0, v61  }
0xc0: {  	v32 =	vor.u32 v32, v33  }
0xc1: {  	v33 =	vperm.xlane v32, v2;
	_ =	sdelay $0x1  }
0xc2: {  	v32 =	vperm.xlane v32, v4;
	v33 =	vadd.s32 v3, v33;
	_ =	sdelay $0x1  }
0xc3: {  	v32 =	vadd.s32 v3, v32;
	_ =	sdelay $0x2  }
0xc4: {  	[tilespmem:s17], [sflag:$0x2] =	stream.indirect_vreg.gather [hbm4b:s1+s29], $0x80, v33, vm0, $0xb8;
	[tilespmem:$0x10380] =	vst v63  }
0xc5: {  	_ = 	snop  }
0xc6: {  	[tilespmem:s18], [sflag:$0x2] =	stream.indirect_vreg.gather [hbm4b:s1+s29], $0x80, v32, vm0, $0xb8;
	[tilespmem:$0x10380] =	vst v63  }
0xc7: {  	v32 =	vld [tilespmem:$0x1E0];
	_ =	sdelay $0x4  }
0xc8: {  	v62 =	vshll.u32 v32, $0x1  }
0xc9: {  	v32 =	vand.u32 $0x7, v32;
	v33 =	vand.u32 $0xFFFFFFF0, v62  }
0xca: {  	v32 =	vor.u32 v32, v33  }
0xcb: {  	v33 =	vperm.xlane v32, v2;
	_ =	sdelay $0x1  }
0xcc: {  	v32 =	vperm.xlane v32, v4;
	v33 =	vadd.s32 v3, v33;
	_ =	sdelay $0x1  }
0xcd: {  	v32 =	vadd.s32 v3, v32;
	_ =	sdelay $0x2  }
0xce: {  	[tilespmem:s3], [sflag:$0x2] =	stream.indirect_vreg.gather [hbm4b:s1+s29], $0x80, v33, vm0, $0xb8;
	[tilespmem:$0x10380] =	vst v63  }
0xcf: {  	_ = 	snop  }
0xd0: {  	[tilespmem:s19], [sflag:$0x2] =	stream.indirect_vreg.gather [hbm4b:s1+s29], $0x80, v32, vm0, $0xb8;
	[tilespmem:$0x10380] =	vst v63  }
0xd1: {  	v32 =	vld [tilespmem:$0x1F0];
	_ =	sdelay $0x4  }
0xd2: {  	v63 =	vshll.u32 v32, $0x1  }
0xd3: {  	v32 =	vand.u32 $0x7, v32;
	v33 =	vand.u32 $0xFFFFFFF0, v63  }
0xd4: {  	v32 =	vor.u32 v32, v33  }
0xd5: {  	v33 =	vperm.xlane v32, v2;
	_ =	sdelay $0x1  }
0xd6: {  	v32 =	vperm.xlane v32, v4;
	v33 =	vadd.s32 v3, v33;
	_ =	sdelay $0x1  }
0xd7: {  	v32 =	vadd.s32 v3, v32;
	_ =	sdelay $0x2  }
0xd8: {  	[tilespmem:s20], [sflag:$0x2] =	stream.indirect_vreg.gather [hbm4b:s1+s29], $0x80, v33, vm0, $0xb8;
	[tilespmem:$0x10380] =	vst v63  }
0xd9: {  	_ = 	snop  }
0xda: {  	[tilespmem:s21], [sflag:$0x2] =	stream.indirect_vreg.gather [hbm4b:s1+s29], $0x80, v32, vm0, $0xb8;
	[tilespmem:$0x10380] =	vst v63  }
0xdb: {  	_ =	swait.ge [sflag:s22], $0x8000  }
0xdc: {  	[sflag:s22] =	ssyncset.done $0x0  }
0xdd: {  	[sflag:s22] =	ssyncadd.s32 $0xFFFF8000  }
0xde: {  	_ =	swait.ge [sflag:s23], $0x8000  }
0xdf: {  	[sflag:s23] =	ssyncset.done $0x0  }
0xe0: {  	s30 =	simm.s32 $0x0;
	s31 =	simm.s32 $0x0;
	[sflag:s23] =	ssyncadd.s32 $0xFFFF8000  }
.LBB2_3:
0xe1: {  	s0 =	sand.u32 $0x7800, s30;
	s2 =	sand.u32 $0x380, s29  }
0xe2: {  	s0 =	sor.u32 s2, s0  }
0xe3: {  	v32 =	vld [tilespmem:s0+$0x8200]  }
0xe4: {  	v33 =	vld [tilespmem:s0+$0x200]  }
0xe5: {  	v34 =	vld [tilespmem:s0+$0x210]  }
0xe6: {  	v35 =	vld [tilespmem:s0+$0x8210]  }
0xe7: {  	v36 =	vld [tilespmem:s0+$0x220]  }
0xe8: {  	v37 =	vld [tilespmem:s0+$0x8220]  }
0xe9: {  	v50 =	vld [tilespmem:s0+$0x230];
	v32 =	vadd.f32 v32, v33  }
0xea: {  	v38 =	vld [tilespmem:s0+$0x8230]  }
0xeb: {  	v51 =	vld [tilespmem:s0+$0x240];
	v34 =	vadd.f32 v35, v34;
	v39 =	vmul.f32 $9.999999770e-03, v32  }
0xec: {  	v40 =	vld [tilespmem:s0+$0x8240]  }
0xed: {  	v53 =	vld [tilespmem:s0+$0x250];
	v36 =	vadd.f32 v37, v36;
	v52 =	vmul.f32 $9.999999770e-03, v34;
	v32 =	vmax.f32 v32, v39  }
0xee: {  	v41 =	vld [tilespmem:s0+$0x8250];
	v32 =	vmul.f32 v32, v16  }
0xef: {  	v55 =	vld [tilespmem:s0+$0x260];
	v33 =	vadd.f32 v38, v50;
	v54 =	vmul.f32 $9.999999770e-03, v36;
	v34 =	vmax.f32 v34, v52  }
0xf0: {  	v42 =	vld [tilespmem:s0+$0x8260];
	v34 =	vmul.f32 v34, v17;
	v32 =	vadd.f32 $0.0e+00, v32  }
0xf1: {  	v57 =	vld [tilespmem:s0+$0x270];
	v35 =	vadd.f32 v40, v51;
	v56 =	vmul.f32 $9.999999770e-03, v33;
	v36 =	vmax.f32 v36, v54  }
0xf2: {  	v59 =	vld [tilespmem:s0+$0x8270];
	v58 =	vmul.f32 v36, v18;
	v32 =	vadd.f32 v34, v32  }
0xf3: {  	v61 =	vld [tilespmem:s0+$0x600];
	v37 =	vadd.f32 v41, v53;
	v60 =	vmul.f32 $9.999999770e-03, v35;
	v33 =	vmax.f32 v33, v56  }
0xf4: {  	v62 =	vld [tilespmem:s0+$0x8600];
	v33 =	vmul.f32 v33, v19;
	v32 =	vadd.f32 v58, v32  }
0xf5: {  	v45 =	vld [tilespmem:s0+$0x610];
	v38 =	vadd.f32 v42, v55;
	v63 =	vmul.f32 $9.999999770e-03, v37;
	v35 =	vmax.f32 v35, v60  }
0xf6: {  	v47 =	vld [tilespmem:s0+$0x8610];
	v46 =	vmul.f32 v35, v20;
	v32 =	vadd.f32 v33, v32  }
0xf7: {  	v49 =	vld [tilespmem:s0+$0x620];
	v48 =	vmul.f32 $9.999999770e-03, v38;
	v37 =	vmax.f32 v37, v63;
	v36 =	vadd.f32 v59, v57  }
0xf8: {  	v51 =	vld [tilespmem:s0+$0x8620];
	v50 =	vmul.f32 v37, v21;
	v32 =	vadd.f32 v46, v32  }
0xf9: {  	v53 =	vld [tilespmem:s0+$0x630];
	v38 =	vmax.f32 v38, v48;
	v52 =	vmul.f32 $9.999999770e-03, v36;
	v34 =	vadd.f32 v62, v61  }
0xfa: {  	v55 =	vld [tilespmem:s0+$0x8630];
	v54 =	vmul.f32 v38, v22;
	v32 =	vadd.f32 v50, v32  }
0xfb: {  	v35 =	vadd.f32 v47, v45;
	v57 =	vld [tilespmem:s0+$0x640];
	v36 =	vmax.f32 v36, v52;
	v56 =	vmul.f32 $9.999999770e-03, v34  }
0xfc: {  	v59 =	vld [tilespmem:s0+$0x8640];
	v58 =	vmul.f32 v36, v23;
	v32 =	vadd.f32 v54, v32  }
0xfd: {  	v63 =	vld [tilespmem:s0+$0x8650];
	v37 =	vadd.f32 v51, v49;
	v60 =	vmul.f32 $9.999999770e-03, v35;
	v34 =	vmax.f32 v34, v56  }
0xfe: {  	v61 =	vld [tilespmem:s0+$0x650];
	v62 =	vmul.f32 v34, v24;
	v32 =	vadd.f32 v58, v32  }
0xff: {  	v38 =	vadd.f32 v55, v53;
	v45 =	vld [tilespmem:s0+$0x660];
	v44 =	vmul.f32 $9.999999770e-03, v37;
	v35 =	vmax.f32 v35, v60  }
0x100: {  	v47 =	vld [tilespmem:s0+$0x8660];
	v46 =	vmul.f32 v35, v25;
	v32 =	vadd.f32 v62, v32  }
0x101: {  	v49 =	vld [tilespmem:s0+$0x670];
	v48 =	vmul.f32 $9.999999770e-03, v38;
	v37 =	vmax.f32 v37, v44;
	v36 =	vadd.f32 v59, v57  }
0x102: {  	v51 =	vld [tilespmem:s0+$0x8670];
	v50 =	vmul.f32 v37, v26;
	v32 =	vadd.f32 v46, v32  }
0x103: {  	v38 =	vmax.f32 v38, v48;
	v52 =	vmul.f32 $9.999999770e-03, v36;
	v34 =	vadd.f32 v63, v61  }
0x104: {  	v53 =	vmul.f32 v38, v27;
	v32 =	vadd.f32 v50, v32  }
0x105: {  	v36 =	vmax.f32 v36, v52;
	v35 =	vadd.f32 v47, v45;
	v54 =	vmul.f32 $9.999999770e-03, v34  }
0x106: {  	v55 =	vmul.f32 v36, v28;
	v32 =	vadd.f32 v53, v32  }
0x107: {  	v56 =	vmul.f32 $9.999999770e-03, v35;
	v37 =	vadd.f32 v51, v49;
	v34 =	vmax.f32 v34, v54  }
0x108: {  	v57 =	vmul.f32 v34, v29;
	v32 =	vadd.f32 v55, v32  }
0x109: {  	v59 =	vmul.f32 $9.999999770e-03, v37;
	v58 =	vmax.f32 v35, v56  }
0x10a: {  	v60 =	vmul.f32 v58, v30;
	v32 =	vadd.f32 v57, v32  }
0x10b: {  	v61 =	vmax.f32 v37, v59;
	v62 =	vor.u32 s29, v0  }
0x10c: {  	v63 =	vmul.f32 v61, v31;
	v32 =	vadd.f32 v60, v32;
	_ =	sdelay $0x1  }
0x10d: {  	s13 =	simm.s32 $0x80;
	s10 =	sadd.s32 $0x100, s30;
	v32 =	vadd.f32 v63, v32  }
0x10e: {  	s12 =	simm.s32 $0x100;
	s4 =	sand.u32 $0x7800, s10;
	s2 =	sand.u32 $0x380, s13  }
0x10f: {  	s2 =	sor.u32 s2, s4;
	s4 =	simm.s32 $0x0;
	s0 =	sshll.u32 s31, $0x4;
	[tilespmem:v62+s24+$0x0] =	vst.idx.msk $0xffff, v32  }
.LBB2_4:
0x110: {  	p0 =	sne.s32 s12, $0x780;
	v32 =	vld [tilespmem:s2+$0x8200]  }
0x111: {  	v33 =	vld [tilespmem:s2+$0x200]  }
0x112: {  	v34 =	vld [tilespmem:s2+$0x210]  }
0x113: {  	v35 =	vld [tilespmem:s2+$0x8210]  }
0x114: {  	v36 =	vld [tilespmem:s2+$0x220]  }
0x115: {  	v37 =	vld [tilespmem:s2+$0x8220]  }
0x116: {  	v32 =	vadd.f32 v32, v33;
	v33 =	vld [tilespmem:s2+$0x230]  }
0x117: {  	v38 =	vld [tilespmem:s2+$0x8230]  }
0x118: {  	v39 =	vmul.f32 $9.999999770e-03, v32;
	v34 =	vadd.f32 v35, v34;
	v35 =	vld [tilespmem:s2+$0x240]  }
0x119: {  	v40 =	vld [tilespmem:s2+$0x8240]  }
0x11a: {  	v32 =	vmax.f32 v32, v39;
	v39 =	vmul.f32 $9.999999770e-03, v34;
	v36 =	vadd.f32 v37, v36;
	v37 =	vld [tilespmem:s2+$0x250]  }
0x11b: {  	v32 =	vmul.f32 v32, v16;
	v41 =	vld [tilespmem:s2+$0x8250]  }
0x11c: {  	v34 =	vmax.f32 v34, v39;
	v39 =	vmul.f32 $9.999999770e-03, v36;
	v33 =	vadd.f32 v38, v33;
	v38 =	vld [tilespmem:s2+$0x260]  }
0x11d: {  	v32 =	vadd.f32 $0.0e+00, v32;
	v34 =	vmul.f32 v34, v17;
	v42 =	vld [tilespmem:s2+$0x8260]  }
0x11e: {  	v36 =	vmax.f32 v36, v39;
	v39 =	vmul.f32 $9.999999770e-03, v33;
	v35 =	vadd.f32 v40, v35;
	v40 =	vld [tilespmem:s2+$0x270]  }
0x11f: {  	v32 =	vadd.f32 v34, v32;
	v34 =	vmul.f32 v36, v18;
	v36 =	vld [tilespmem:s2+$0x8270]  }
0x120: {  	v33 =	vmax.f32 v33, v39;
	v39 =	vmul.f32 $9.999999770e-03, v35;
	v37 =	vadd.f32 v41, v37;
	v41 =	vld [tilespmem:s2+$0x600]  }
0x121: {  	v32 =	vadd.f32 v34, v32;
	v33 =	vmul.f32 v33, v19;
	v34 =	vld [tilespmem:s2+$0x8600]  }
0x122: {  	v35 =	vmax.f32 v35, v39;
	v39 =	vmul.f32 $9.999999770e-03, v37;
	v38 =	vadd.f32 v42, v38;
	v42 =	vld [tilespmem:s2+$0x610]  }
0x123: {  	v32 =	vadd.f32 v33, v32;
	v33 =	vmul.f32 v35, v20;
	v35 =	vld [tilespmem:s2+$0x8610]  }
0x124: {  	v37 =	vmax.f32 v37, v39;
	v39 =	vmul.f32 $9.999999770e-03, v38;
	v36 =	vadd.f32 v36, v40;
	v40 =	vld [tilespmem:s2+$0x620]  }
0x125: {  	v32 =	vadd.f32 v33, v32;
	v33 =	vmul.f32 v37, v21;
	v37 =	vld [tilespmem:s2+$0x8620]  }
0x126: {  	v38 =	vmax.f32 v38, v39;
	v39 =	vmul.f32 $9.999999770e-03, v36;
	v34 =	vadd.f32 v34, v41;
	v41 =	vld [tilespmem:s2+$0x630]  }
0x127: {  	v32 =	vadd.f32 v33, v32;
	v33 =	vmul.f32 v38, v22;
	v38 =	vld [tilespmem:s2+$0x8630]  }
0x128: {  	v36 =	vmax.f32 v36, v39;
	v39 =	vmul.f32 $9.999999770e-03, v34;
	v35 =	vadd.f32 v35, v42;
	v42 =	vld [tilespmem:s2+$0x640]  }
0x129: {  	v32 =	vadd.f32 v33, v32;
	v33 =	vmul.f32 v36, v23;
	v36 =	vld [tilespmem:s2+$0x8640]  }
0x12a: {  	v34 =	vmax.f32 v34, v39;
	v39 =	vmul.f32 $9.999999770e-03, v35;
	v37 =	vadd.f32 v37, v40;
	v40 =	vld [tilespmem:s2+$0x650]  }
0x12b: {  	v32 =	vadd.f32 v33, v32;
	v33 =	vmul.f32 v34, v24;
	v34 =	vld [tilespmem:s2+$0x8650]  }
0x12c: {  	v35 =	vmax.f32 v35, v39;
	v39 =	vmul.f32 $9.999999770e-03, v37;
	v38 =	vadd.f32 v38, v41;
	v41 =	vld [tilespmem:s2+$0x660]  }
0x12d: {  	v32 =	vadd.f32 v33, v32;
	v33 =	vmul.f32 v35, v25;
	v35 =	vld [tilespmem:s2+$0x8660]  }
0x12e: {  	v37 =	vmax.f32 v37, v39;
	v39 =	vmul.f32 $9.999999770e-03, v38;
	v36 =	vadd.f32 v36, v42;
	v42 =	vld [tilespmem:s2+$0x670]  }
0x12f: {  	v32 =	vadd.f32 v33, v32;
	v33 =	vmul.f32 v37, v26;
	v37 =	vld [tilespmem:s2+$0x8670]  }
0x130: {  	v38 =	vmax.f32 v38, v39;
	v39 =	vmul.f32 $9.999999770e-03, v36;
	v34 =	vadd.f32 v34, v40  }
0x131: {  	v32 =	vadd.f32 v33, v32;
	v33 =	vmul.f32 v38, v27  }
0x132: {  	v36 =	vmax.f32 v36, v39;
	v38 =	vmul.f32 $9.999999770e-03, v34;
	v35 =	vadd.f32 v35, v41  }
0x133: {  	v32 =	vadd.f32 v33, v32;
	v33 =	vmul.f32 v36, v28  }
0x134: {  	v34 =	vmax.f32 v34, v38;
	v36 =	vmul.f32 $9.999999770e-03, v35;
	v37 =	vadd.f32 v37, v42  }
0x135: {  	v32 =	vadd.f32 v33, v32;
	v33 =	vmul.f32 v34, v29  }
0x136: {  	v34 =	vmax.f32 v35, v36;
	v35 =	vmul.f32 $9.999999770e-03, v37  }
0x137: {  	s4 =	sadd.s32 $0x10, s4;
	v32 =	vadd.f32 v33, v32;
	v33 =	vmul.f32 v34, v30  }
0x138: {  	v34 =	vmax.f32 v37, v35;
	v35 =	vor.u32 s4, v0  }
.Ltmp0:
0x139: {  	v32 =	vadd.f32 v33, v32;
	v33 =	vmul.f32 v34, v31;
	(pc) =	sbr.rel @p0 .LBB2_4-.Ltmp0, $4  }
0x13a: {  	_ = 	snop  }
0x13b: {  	s10 =	sadd.s32 $0x100, s10;
	v32 =	vadd.f32 v33, v32  }
0x13c: {  	s13 =	sand.u32 $0x380, s12;
	s2 =	sand.u32 $0x7800, s10  }
0x13d: {  	s12 =	sadd.s32 $0x80, s12;
	s2 =	sor.u32 s13, s2;
	[tilespmem:v35+s24+$0x0] =	vst.idx.msk $0xffff, v32  }
0x13e: {  	v32 =	vld [tilespmem:s2+$0x8200]  }
0x13f: {  	v33 =	vld [tilespmem:s2+$0x200]  }
0x140: {  	v34 =	vld [tilespmem:s2+$0x210]  }
0x141: {  	v35 =	vld [tilespmem:s2+$0x8210]  }
0x142: {  	v36 =	vld [tilespmem:s2+$0x220]  }
0x143: {  	v37 =	vld [tilespmem:s2+$0x8220]  }
0x144: {  	v56 =	vld [tilespmem:s2+$0x230];
	v32 =	vadd.f32 v32, v33  }
0x145: {  	v38 =	vld [tilespmem:s2+$0x8230]  }
0x146: {  	v57 =	vld [tilespmem:s2+$0x240];
	v34 =	vadd.f32 v35, v34;
	v39 =	vmul.f32 $9.999999770e-03, v32  }
0x147: {  	v40 =	vld [tilespmem:s2+$0x8240]  }
0x148: {  	v59 =	vld [tilespmem:s2+$0x250];
	v36 =	vadd.f32 v37, v36;
	v58 =	vmul.f32 $9.999999770e-03, v34;
	v32 =	vmax.f32 v32, v39  }
0x149: {  	v41 =	vld [tilespmem:s2+$0x8250];
	v32 =	vmul.f32 v32, v16  }
0x14a: {  	v61 =	vld [tilespmem:s2+$0x260];
	v33 =	vadd.f32 v38, v56;
	v60 =	vmul.f32 $9.999999770e-03, v36;
	v34 =	vmax.f32 v34, v58  }
0x14b: {  	v42 =	vld [tilespmem:s2+$0x8260];
	v34 =	vmul.f32 v34, v17;
	v32 =	vadd.f32 $0.0e+00, v32  }
0x14c: {  	v63 =	vld [tilespmem:s2+$0x270];
	v35 =	vadd.f32 v40, v57;
	v62 =	vmul.f32 $9.999999770e-03, v33;
	v36 =	vmax.f32 v36, v60  }
0x14d: {  	v46 =	vld [tilespmem:s2+$0x8270];
	v45 =	vmul.f32 v36, v18;
	v32 =	vadd.f32 v34, v32  }
0x14e: {  	v48 =	vld [tilespmem:s2+$0x600];
	v37 =	vadd.f32 v41, v59;
	v47 =	vmul.f32 $9.999999770e-03, v35;
	v33 =	vmax.f32 v33, v62  }
0x14f: {  	v49 =	vld [tilespmem:s2+$0x8600];
	v33 =	vmul.f32 v33, v19;
	v32 =	vadd.f32 v45, v32  }
0x150: {  	v51 =	vld [tilespmem:s2+$0x610];
	v38 =	vadd.f32 v42, v61;
	v50 =	vmul.f32 $9.999999770e-03, v37;
	v35 =	vmax.f32 v35, v47  }
0x151: {  	v53 =	vld [tilespmem:s2+$0x8610];
	v52 =	vmul.f32 v35, v20;
	v32 =	vadd.f32 v33, v32  }
0x152: {  	v55 =	vld [tilespmem:s2+$0x620];
	v54 =	vmul.f32 $9.999999770e-03, v38;
	v37 =	vmax.f32 v37, v50;
	v36 =	vadd.f32 v46, v63  }
0x153: {  	v57 =	vld [tilespmem:s2+$0x8620];
	v56 =	vmul.f32 v37, v21;
	v32 =	vadd.f32 v52, v32  }
0x154: {  	v59 =	vld [tilespmem:s2+$0x630];
	v38 =	vmax.f32 v38, v54;
	v58 =	vmul.f32 $9.999999770e-03, v36;
	v34 =	vadd.f32 v49, v48  }
0x155: {  	v61 =	vld [tilespmem:s2+$0x8630];
	v60 =	vmul.f32 v38, v22;
	v32 =	vadd.f32 v56, v32  }
0x156: {  	v35 =	vadd.f32 v53, v51;
	v63 =	vld [tilespmem:s2+$0x640];
	v36 =	vmax.f32 v36, v58;
	v62 =	vmul.f32 $9.999999770e-03, v34  }
0x157: {  	v46 =	vld [tilespmem:s2+$0x8640];
	v45 =	vmul.f32 v36, v23;
	v32 =	vadd.f32 v60, v32  }
0x158: {  	v50 =	vld [tilespmem:s2+$0x8650];
	v37 =	vadd.f32 v57, v55;
	v47 =	vmul.f32 $9.999999770e-03, v35;
	v34 =	vmax.f32 v34, v62  }
0x159: {  	v48 =	vld [tilespmem:s2+$0x650];
	v49 =	vmul.f32 v34, v24;
	v32 =	vadd.f32 v45, v32  }
0x15a: {  	v54 =	vld [tilespmem:s2+$0x8660];
	v38 =	vadd.f32 v61, v59;
	v51 =	vmul.f32 $9.999999770e-03, v37;
	v35 =	vmax.f32 v35, v47  }
0x15b: {  	v53 =	vmul.f32 v35, v25;
	v52 =	vld [tilespmem:s2+$0x660];
	v32 =	vadd.f32 v49, v32  }
0x15c: {  	v55 =	vmul.f32 $9.999999770e-03, v38;
	v37 =	vmax.f32 v37, v51;
	v58 =	vld [tilespmem:s2+$0x8670];
	v36 =	vadd.f32 v46, v63  }
0x15d: {  	v57 =	vmul.f32 v37, v26;
	v56 =	vld [tilespmem:s2+$0x670];
	v32 =	vadd.f32 v53, v32  }
0x15e: {  	v38 =	vmax.f32 v38, v55;
	v59 =	vmul.f32 $9.999999770e-03, v36;
	v34 =	vadd.f32 v50, v48  }
0x15f: {  	v60 =	vmul.f32 v38, v27;
	v32 =	vadd.f32 v57, v32  }
0x160: {  	v36 =	vmax.f32 v36, v59;
	v61 =	vmul.f32 $9.999999770e-03, v34;
	v35 =	vadd.f32 v54, v52  }
0x161: {  	v62 =	vmul.f32 v36, v28;
	v32 =	vadd.f32 v60, v32  }
0x162: {  	v34 =	vmax.f32 v34, v61;
	v63 =	vmul.f32 $9.999999770e-03, v35;
	v37 =	vadd.f32 v58, v56  }
0x163: {  	v40 =	vmul.f32 v34, v29;
	v32 =	vadd.f32 v62, v32  }
0x164: {  	v41 =	vmax.f32 v35, v63;
	v42 =	vmul.f32 $9.999999770e-03, v37  }
0x165: {  	s13 =	sadd.s32 $0x10, s4;
	v43 =	vmul.f32 v41, v30;
	v32 =	vadd.f32 v40, v32  }
0x166: {  	v45 =	vor.u32 s13, v0;
	v44 =	vmax.f32 v37, v42  }
0x167: {  	v46 =	vmul.f32 v44, v31;
	v32 =	vadd.f32 v43, v32;
	_ =	sdelay $0x1  }
0x168: {  	v32 =	vadd.f32 v46, v32;
	_ =	sdelay $0x1  }
0x169: {  	[tilespmem:v45+s24+$0x0] =	vst.idx.msk $0xffff, v32  }
0x16a: {  	v32 =	vld.idx.msk [tilespmem:v1+s24+$0x0], $0xffff;
	_ =	sdelay $0x1  }
0x16b: {  	v47 =	vld.idx.msk [tilespmem:v5+s24+$0x0], $0xffff;
	_ =	sdelay $0x1  }
0x16c: {  	v48 =	vld.idx.msk [tilespmem:v6+s24+$0x0], $0xffff  }
0x16d: {  	v32 =	vadd.f32 $0.0e+00, v32  }
0x16e: {  	v35 =	vld.idx.msk [tilespmem:v7+s24+$0x0], $0xffff  }
0x16f: {  	v32 =	vadd.f32 v47, v32  }
0x170: {  	v49 =	vld.idx.msk [tilespmem:v8+s24+$0x0], $0xffff  }
0x171: {  	v32 =	vadd.f32 v48, v32  }
0x172: {  	v50 =	vld.idx.msk [tilespmem:v9+s24+$0x0], $0xffff  }
0x173: {  	v32 =	vadd.f32 v35, v32  }
0x174: {  	v51 =	vld.idx.msk [tilespmem:v10+s24+$0x0], $0xffff  }
0x175: {  	v32 =	vadd.f32 v49, v32  }
0x176: {  	v52 =	vld.idx.msk [tilespmem:v11+s24+$0x0], $0xffff  }
0x177: {  	v32 =	vadd.f32 v50, v32  }
0x178: {  	v53 =	vld.idx.msk [tilespmem:v12+s24+$0x0], $0xffff  }
0x179: {  	v32 =	vadd.f32 v51, v32  }
0x17a: {  	v54 =	vld.idx.msk [tilespmem:v13+s24+$0x0], $0xffff  }
0x17b: {  	v55 =	vor.u32 $0xC, v1;
	v32 =	vadd.f32 v52, v32  }
0x17c: {  	v56 =	vld.idx.msk [tilespmem:v14+s24+$0x0], $0xffff  }
0x17d: {  	v57 =	vor.u32 $0xD, v1;
	v32 =	vadd.f32 v53, v32  }
0x17e: {  	v58 =	vld.idx.msk [tilespmem:v15+s24+$0x0], $0xffff  }
0x17f: {  	v59 =	vor.u32 $0xE, v1;
	v32 =	vadd.f32 v54, v32  }
0x180: {  	v33 =	vld.idx.msk [tilespmem:v55+s24+$0x0], $0xffff  }
0x181: {  	v60 =	vor.u32 $0xF, v1;
	v32 =	vadd.f32 v56, v32  }
0x182: {  	v34 =	vld.idx.msk [tilespmem:v57+s24+$0x0], $0xffff  }
0x183: {  	v32 =	vadd.f32 v58, v32  }
0x184: {  	v35 =	vld.idx.msk [tilespmem:v59+s24+$0x0], $0xffff  }
0x185: {  	v32 =	vadd.f32 v33, v32  }
0x186: {  	v61 =	vld.idx.msk [tilespmem:v60+s24+$0x0], $0xffff  }
0x187: {  	v32 =	vadd.f32 v34, v32;
	_ =	sdelay $0x1  }
0x188: {  	v32 =	vadd.f32 v35, v32;
	_ =	sdelay $0x1  }
0x189: {  	v32 =	vadd.f32 v61, v32;
	_ =	sdelay $0x1  }
0x18a: {  	v32 =	vmul.f32 $1.442695020e+00, v32;
	_ =	sdelay $0x1  }
0x18b: {  	(erf) = vpow2.f32 v32;
	_ =	sdelay $0x3  }
0x18c: {  	s31 =	sadd.s32 $0x1, s31  }
0x18d: {  	p0 =	sne.s32 s31, $0x8;
	v62 =	vor.u32 s0, v0  }
.Ltmp1:
0x18e: {  	_ = 	snop;
	(pc) =	sbr.rel @p0 .LBB2_3-.Ltmp1, $3  }
0x18f: {  	_ =	sdelay $0x1  }
0x190: {  	v63 =	vpop (erf)  }
0x191: {  	s30 =	sadd.s32 $0x1000, s30;
	[tilespmem:v62+s25+$0x0] =	vst.idx.msk $0xffff, v63  }
0x192: {  	s26 =	sadd.s32 $0x1, s26  }
0x193: {  	p0 =	sne.s32 s26, $0x28  }
.Ltmp2:
0x194: {  	s0 =	sadd.s32 s8, s28;
	s2 =	simm.s32 $0x0;
	(pc) =	sbr.rel @p0 .LBB2_2-.Ltmp2, $4  }
0x195: {  	[hbm4b:s0+s2] =	stream.linear.scatter [tilespmem:s25], [sflag:$0x3], $0x80, $0x38;
	[tilespmem:$0x10380] =	vst v63  }
0x196: {  	_ =	swait.ge [sflag:s11], $0x80  }
0x197: {  	[sflag:s11] =	ssyncset.done $0x0  }
0x198: {  	[sflag:s11] =	ssyncadd.s32 $0xFFFFFF80  }
0x199: {  	s2 =	rddreg [dreg:$0x5]  }
0x19a: {  	s0 =	rddreg [dreg:$0x4];
	s2 =	sadd.s32 $0x1, s2  }
0x19b: {  	p0 =	sne.s32 s2, s0  }
.Ltmp3:
0x19c: {  	_ = 	snop;
	(pc) =	sbr.rel @p0 .LBB2_1-.Ltmp3, $1  }
0x19d: {  	_ =	sdelay $0x3  }
0x19e: {  	_ =	sfence.sel $0x180000  }
0x19f: {  	[bflag:$0x0] =	sbarrier.arrive $0xFFFF  }
0x1a0: {  	_ =	strace $0x90000047  }
0x1a1: {  	s0 =	stileid.u32;
	[bflag:$0x2] =	sbarrier.arrive $0xFFFF  }
0x1a2: {  	p0 =	sne.s32 s0, $0x0;
	s0 =	rddreg [dreg:$0x3]  }
0x1a3: {  	s0 =	sadd.s32 @!p0 $0x100000, s0  }
0x1a4: {  	[sflag:s0] =	ssyncadd.tile.s32 @!p0 $0x1;
	_ =	shalt  }
.Lfunc_end2:
_tile_overlayer_lowered:
.L_overlay_start_2:
0x1a5: {  	(tag) =	ssettag $0x2  }
0x1a6: {  	s0 =	rddreg [dreg:$0x0];
	s2 =	stileid.u32  }
0x1a7: {  	s1 =	rddreg [dreg:$0x1];
	p0 =	sne.s32 s2, $0x0  }
0x1a8: {  	s3 =	rddreg [dreg:$0x2];
	[bflag:$0x3] =	sbarrier.arrive $0xFFFF;
	s2 =	simm.s32 @!p0 $0x1C03  }
0x1a9: {  	[timem:s3], [sflag:s2] =	dma.local @!p0 [hbm:s0], s1  }
0x1aa: {  	s0 =	simm.s32 @!p0 $0x3  }
0x1ab: {  	_ =	swait.ge @!p0 [sflag:s0], s1  }
0x1ac: {  	s1 =	ssub.s32 @!p0 $0x0, s1;
	[sflag:s0] =	ssyncset.done @!p0 $0x0  }
0x1ad: {  	[sflag:s0] =	ssyncadd.s32 @!p0 s1  }
0x1ae: {  	[bflag:$0x3] =	sbarrier.arrive $0xFFFF  }
0x1af: {  	_ =	shalt  }

// kernel: kernel.9.cloned.1.call-start
scs
__scs_entry_jumppad:
0x0: {  	(pc) =	sbr.rel $0x88, $3  }
0x1: {  	(tag) =	ssettag $0x0;
	lr =	simm.s32 $0x1  }
0x2: {  	[smem:$0x3F9A] =	sst lr;
	_ =	strace $0xD0000000  }
0x3: {  	_ = 	snop  }
0x4: {  	_ = 	snop  }
0x5: {  	_ = 	snop  }
0x6: {  	_ = 	snop  }
0x7: {  	_ = 	snop  }
__scs_overlays_trampoline_lowered:
0x8: {  	[smem:$0x3FA9] =	sst s0  }
0x9: {  	[smem:$0x3FAA] =	sst s1  }
0xa: {  	[smem:$0x3FAB] =	sst s2  }
0xb: {  	[smem:$0x3FAC] =	sst s3  }
0xc: {  	[smem:$0x3FAD] =	sst s4  }
0xd: {  	[smem:$0x3FAE] =	sst s5  }
0xe: {  	[smem:$0x3FAF] =	sst s6  }
0xf: {  	[smem:$0x3FB0] =	sst s7  }
0x10: {  	[smem:$0x3FB1] =	sst s8  }
0x11: {  	[smem:$0x3FB2] =	sst s9;
	s0 =	simm.s32 @!p0 $0x0  }
0x12: {  	s1 =	sld [smem:$0x3F98];
	s0 =	simm.s32 @p0 $0x1  }
0x13: {  	[smem:$0x3FB3] =	sst s0;
	s0 =	simm.s32 @!p1 $0x0  }
0x14: {  	s2 =	sld [smem:$0x3F97];
	s0 =	simm.s32 @p1 $0x1  }
0x15: {  	[smem:$0x3FB4] =	sst s0;
	s0 =	simm.s32 @!p2 $0x0  }
0x16: {  	s3 =	sld [smem:$0x3FDB];
	s0 =	simm.s32 @p2 $0x1  }
0x17: {  	s4 =	simm.s32 $0x1BF5;
	[smem:$0x3FB6] =	sst s0  }
0x18: {  	s0 =	sld [smem:$0x3F99];
	_ =	swait.ge [sflag:s4], $0x0  }
0x19: {  	s7 =	sld [smem:$0x3F9A]  }
0x1a: {  	s8 =	sadd.s32 $0xFFFFE003, lr  }
0x1b: {  	s9 =	sadd.s32 $0xFFFFFEF7, lr;
	s5 =	simm.s32 $0xFFFFFFFF;
	p2 =	slt.u32 s8, $0xFFFFF086  }
0x1c: {  	p1 =	slt.u32 s9, $0xF7A;
	s5 =	simm.s32 @!p2 $0x0  }
0x1d: {  	s5 =	simm.s32 @p1 $0x1;
	p0 =	seq.s32 s7, s2  }
0x1e: {  	s7 =	smul.u32 @!p0 $0xF7A, s2;
	p2 =	seq.s32 @!p0 s5, $0x0  }
0x1f: {  	s9 =	smul.u32 $0xF7A, s1;
	s8 =	simm.s32 @!p0 $0x1BF5;
	p2 =	por !p2, p0  }
0x20: {  	[sflag:s8] =	ssyncset.s32 @!p0 $0xFFFFF086;
	s6 =	sadd.s32 @!p0 s3, s7;
	s7 =	simm.s32 @!p0 $0x108  }
0x21: {  	s3 =	sadd.s32 s3, s9;
	s6 =	sadd.s32 @!p0 $0x88, s6;
	s7 =	simm.s32 @p2 $0x1082  }
0x22: {  	[simem:s7], [sflag:s8] =	dma.local @!p0 [hbm:s6], $0xF7A  }
0x23: {  	s9 =	sor.u32 $0xD0000000, s2;
	s6 =	simm.s32 $0x108;
	_ =	swait.ge @!p0 [sflag:s8], $0x0  }
0x24: {  	s3 =	sadd.s32 $0x88, s3;
	s6 =	simm.s32 @!p1 $0x1082;
	[sflag:s4] =	ssyncset.s32 $0xFFFFF086  }
0x25: {  	[simem:s6], [sflag:s4] =	dma.local [hbm:s3], $0xF7A  }
0x26: {  	[smem:$0x3F9A] =	sst s1;
	(tag) =	ssettag s2;
	_ =	strace s9  }
0x27: {  	s1 =	sld [smem:$0x3FAA]  }
0x28: {  	s2 =	sld [smem:$0x3FAB]  }
0x29: {  	s4 =	sld [smem:$0x3FAD]  }
0x2a: {  	p0 =	seq.s32 s5, $0x0;
	s5 =	sld [smem:$0x3FAE]  }
0x2b: {  	s6 =	sld [smem:$0x3FAF]  }
0x2c: {  	s7 =	sld [smem:$0x3FB0]  }
0x2d: {  	s3 =	simm.s32 $0x108;
	s8 =	sld [smem:$0x3FB1]  }
0x2e: {  	s3 =	simm.s32 @!p0 $0x1082;
	s9 =	sld [smem:$0x3FB2]  }
0x2f: {  	lr =	sadd.s32 s0, s3;
	s0 =	sld [smem:$0x3FA9]  }
0x30: {  	s3 =	sld [smem:$0x3FAC]  }
0x31: {  	[smem:$0x3FB5] =	sst s10  }
0x32: {  	s10 =	sld [smem:$0x3FB3];
	_ =	sdelay $0x3  }
0x33: {  	p0 =	seq.s32 s10, $0x1;
	s10 =	sld [smem:$0x3FB5];
	_ =	sdelay $0x3  }
0x34: {  	[smem:$0x3FB5] =	sst s10  }
0x35: {  	s10 =	sld [smem:$0x3FB4];
	_ =	sdelay $0x3  }
0x36: {  	p1 =	seq.s32 s10, $0x1;
	s10 =	sld [smem:$0x3FB5];
	_ =	sdelay $0x3  }
0x37: {  	[smem:$0x3FB5] =	sst s10  }
0x38: {  	s10 =	sld [smem:$0x3FB6]  }
0x39: {  	_ = 	snop;
	(pc) =	sbr.ind lr, $3  }
0x3a: {  	_ = 	snop  }
0x3b: {  	_ = 	snop  }
0x3c: {  	p2 =	seq.s32 s10, $0x1;
	s10 =	sld [smem:$0x3FB5]  }
0x3d: {  	_ =	shalt  }
0x3e: {  	_ =	shalt  }
0x3f: {  	_ =	shalt  }
0x40: {  	_ =	shalt  }
0x41: {  	_ =	shalt  }
0x42: {  	_ =	shalt  }
0x43: {  	_ =	shalt  }
0x44: {  	_ =	shalt  }
0x45: {  	_ =	shalt  }
0x46: {  	_ =	shalt  }
0x47: {  	_ =	shalt  }
0x48: {  	_ =	shalt  }
0x49: {  	_ =	shalt  }
0x4a: {  	_ =	shalt  }
0x4b: {  	_ =	shalt  }
0x4c: {  	_ =	shalt  }
0x4d: {  	_ =	shalt  }
0x4e: {  	_ =	shalt  }
0x4f: {  	_ =	shalt  }
0x50: {  	_ =	shalt  }
0x51: {  	_ =	shalt  }
0x52: {  	_ =	shalt  }
0x53: {  	_ =	shalt  }
0x54: {  	_ =	shalt  }
0x55: {  	_ =	shalt  }
0x56: {  	_ =	shalt  }
0x57: {  	_ =	shalt  }
0x58: {  	_ =	shalt  }
0x59: {  	_ =	shalt  }
0x5a: {  	_ =	shalt  }
0x5b: {  	_ =	shalt  }
0x5c: {  	_ =	shalt  }
0x5d: {  	_ =	shalt  }
0x5e: {  	_ =	shalt  }
0x5f: {  	_ =	shalt  }
0x60: {  	_ =	shalt  }
0x61: {  	_ =	shalt  }
0x62: {  	_ =	shalt  }
0x63: {  	_ =	shalt  }
0x64: {  	_ =	shalt  }
0x65: {  	_ =	shalt  }
0x66: {  	_ =	shalt  }
0x67: {  	_ =	shalt  }
0x68: {  	_ =	shalt  }
0x69: {  	_ =	shalt  }
0x6a: {  	_ =	shalt  }
0x6b: {  	_ =	shalt  }
0x6c: {  	_ =	shalt  }
0x6d: {  	_ =	shalt  }
0x6e: {  	_ =	shalt  }
0x6f: {  	_ =	shalt  }
0x70: {  	_ =	shalt  }
0x71: {  	_ =	shalt  }
0x72: {  	_ =	shalt  }
0x73: {  	_ =	shalt  }
0x74: {  	_ =	shalt  }
0x75: {  	_ =	shalt  }
0x76: {  	_ =	shalt  }
0x77: {  	_ =	shalt  }
0x78: {  	_ =	shalt  }
0x79: {  	_ =	shalt  }
0x7a: {  	_ =	shalt  }
0x7b: {  	_ =	shalt  }
0x7c: {  	_ =	shalt  }
0x7d: {  	_ =	shalt  }
0x7e: {  	_ =	shalt  }
0x7f: {  	_ =	shalt  }
0x80: {  	_ =	shalt  }
0x81: {  	_ =	shalt  }
0x82: {  	_ =	shalt  }
0x83: {  	_ =	shalt  }
0x84: {  	_ =	shalt  }
0x85: {  	_ =	shalt  }
0x86: {  	_ =	shalt  }
0x87: {  	_ =	shalt  }
.Lfunc_end0:
.L_simem_size_0:
called_computation.1_lowered:
.L_overlay_start_0:
0x88: {  	s2 =	sld [smem:$0x3FD9]  }
0x89: {  	s3 =	sld [smem:$0x3FFE];
	_ =	sdelay $0x1  }
0x8a: {  	s1 =	srdreg.scid  }
0x8b: {  	s0 =	sand.u32 $0x1, s1  }
0x8c: {  	s17 =	sshll.u32 s0, $0xA;
	s2 =	sadd.s32 s3, s2  }
0x8d: {  	s2 =	sadd.s32 s2, s17  }
0x8e: {  	[smem:$0x3FC1] =	sst s2  }
0x8f: {  	_ = 	snop  }
0x90: {  	s2 =	sld [smem:$0x3FD0];
	(tm) =	ssettm $0x1  }
0x91: {  	s18 =	sld [smem:$0x3FFB];
	_ =	sdelay $0x3  }
0x92: {  	_ =	strace s18  }
0x93: {  	s3 =	sld [smem:$0x3FFC];
	_ =	sdelay $0x3  }
0x94: {  	_ =	strace s3  }
0x95: {  	s3 =	sld [smem:$0x3FFD];
	_ =	sdelay $0x3  }
0x96: {  	_ =	strace s3  }
0x97: {  	_ =	strace $0x8FFFFFFF  }
0x98: {  	s19 =	sld [smem:$0x3FDB];
	_ =	sdelay $0x1  }
0x99: {  	s4 =	simm.s32 $_scs_section_size  }
0x9a: {  	s5 =	simm.s32 $_size__tile_overlayer_lowered;
	s6 =	simm.s32 $_tile_overlayer_lowered  }
0x9b: {  	s22 =	simm.s32 $0x1BFF;
	s21 =	sshll.u32 s6, $0x1;
	s3 =	sadd.s32 s4, s19  }
0x9c: {  	s7 =	simm.s32 $0x0;
	s20 =	sshll.u32 s5, $0x1;
	s5 =	sadd.s32 s21, s3  }
0x9d: {  	[timem:s7], [sflag:s22] =	dma.local [hbm:s5], s20  }
0x9e: {  	_ =	swait.ge [sflag:s22], s20  }
0x9f: {  	s4 =	ssub.s32 $0x0, s20;
	[sflag:s22] =	ssyncset.done $0x0  }
0xa0: {  	[sflag:s22] =	ssyncadd.s32 s4;
	_ =	sdelay $0x1  }
0xa1: {  	s23 =	simm.s32 $0x1B8B  }
0xa2: {  	_ =	swait.ge [sflag:s23], $0x1  }
0xa3: {  	[sflag:s23] =	ssyncset.done $0x0  }
0xa4: {  	s25 =	simm.s32 $0x1B8E;
	s24 =	sld [smem:$0x3FFE];
	[sflag:s23] =	ssyncadd.s32 $0xFFFFFFFF  }
0xa5: {  	s26 =	simm.s32 $execute0_lowered;
	[smem:$0x3FD2] =	sst s25  }
0xa6: {  	s5 =	sshll.u32 s26, $0x1;
	_ =	strace $0x80000049;
	[dreg:$0x1] =	wrdreg $0xFFFFFFFF  }
0xa7: {  	s28 =	simm.s32 $_size_execute0_lowered;
	s3 =	sadd.s32 s3, s5;
	[dreg:$0x0] =	wrdreg $0x0  }
0xa8: {  	s5 =	sshll.u32 s28, $0x1;
	[dreg:$0x2] =	wrdreg s3  }
0xa9: {  	[dreg:$0x3] =	wrdreg s5  }
0xaa: {  	[dreg:$0x4] =	wrdreg $0xC0  }
0xab: {  	_ =	task [dreg:s7], $0x5FFFF  }
0xac: {  	[dreg:$0x1] =	wrdreg $0xFFFFFFFF  }
0xad: {  	[dreg:$0x0] =	wrdreg $0x60  }
0xae: {  	[dreg:$0x2] =	wrdreg s24  }
0xaf: {  	[dreg:$0x3] =	wrdreg s2  }
0xb0: {  	[dreg:$0x4] =	wrdreg $0x41800  }
0xb1: {  	[dreg:$0x5] =	wrdreg $0x17D800  }
0xb2: {  	[dreg:$0x6] =	wrdreg $0x9  }
0xb3: {  	_ =	task.clear_ibuf [dreg:s7], $0x7FFFF;
	_ =	strace $0x90000049  }
0xb4: {  	s29 =	simm.s32 $0x9;
	_ =	strace $0x8000004B  }
0xb5: {  	_ =	swait.ge [sflag:s29], $0x1  }
0xb6: {  	[sflag:s29] =	ssyncadd.s32 $0xFFFFFFFF  }
0xb7: {  	_ =	strace $0x9000004B  }
0xb8: {  	_ =	sfence  }
0xb9: {  	s30 =	sld [smem:$0x0];
	_ =	sdelay $0x2  }
0xba: {  	s31 =	sshll.u32 s1, $0xD;
	s1 =	sshrl.u32 s1, $0x2  }
0xbb: {  	s3 =	sand.u32 $0x4000, s31;
	s1 =	sadd.s32 s1, s30  }
0xbc: {  	s0 =	sor.u32 s3, s0;
	s1 =	sshll.u32 s1, $0x11  }
0xbd: {  	s0 =	sor.u32 s1, s0  }
0xbe: {  	s0 =	sadd.s32 $0x8F2B, s0  }
0xbf: {  	[sflag:s0] =	ssyncadd.remote.s32 $0x1  }
0xc0: {  	_ =	sfence.sel $0xFFFF  }
0xc1: {  	[dreg:$0x0] =	wrdreg $0xFFFFFFFF;
	(pc) =	sbr.abs _section_cstart, $3  }
0xc2: {  	[dreg:$0x1] =	wrdreg $0xFFFFFFFF  }
0xc3: {  	_ =	task.clear_ibuf [dreg:s7], $0x2FFFF;
	_ =	strace $0x9FFFFFFF  }
0xc4: {  	(tm) =	ssettm $0x7FFFFFFF  }
0xc5: {  	_ =	shalt  }
tec
execute0_lowered:
.L_overlay_start_1:
0x0: {  	(tag) =	ssettag $0x1  }
0x1: {  	s13 =	rddreg [dreg:$0x0]  }
0x2: {  	s9 =	rddreg [dreg:$0x1]  }
0x3: {  	s1 =	rddreg [dreg:$0x2]  }
0x4: {  	s2 =	rddreg [dreg:$0x3]  }
0x5: {  	s0 =	rddreg [dreg:$0x4];
	s3 =	simm.s32 $0x0  }
0x6: {  	s7 =	srdreg.scid;
	s15 =	stileid.u32;
	s18 =	simm.s32 $0x10E00  }
0x7: {  	s19 =	simm.s32 $0x86200;
	s21 =	simm.s32 $0x1;
	[smem:$0x7FF] =	sst s3  }
0x8: {  	s4 =	sadd.s32 $0xAD400, s13;
	s5 =	sadd.s32 $0xBE00, s13;
	s6 =	sadd.s32 $0x6E00, s13  }
0x9: {  	s12 =	sand.u32 $0x1, s7;
	s10 =	smul.u32 $0x4F000, s15;
	s7 =	sadd.s32 $0x1E00, s13  }
0xa: {  	s8 =	sadd.s32 $0x2400, s13;
	s16 =	smul.u32 $0x2780, s15;
	s30 =	sshll.u32 s15, $0x6  }
0xb: {  	_ =	strace $0x8000004A;
	s11 =	ssub.s32 $0x2, s12;
	p0 =	seq.s32 s12, $0x1  }
0xc: {  	p1 =	seq.s32 s12, $0x0;
	s20 =	sor.u32 s15, s12;
	s14 =	sshrl.u32 s11, $0x1  }
0xd: {  	s10 =	sshrl.u32 s10, $0x2;
	s9 =	sadd.s32 s9, s16;
	s18 =	simm.s32 @!p1 $0xB2400  }
0xe: {  	s19 =	simm.s32 @!p0 $0x5F000;
	p0 =	sne.s32 s15, $0x0;
	p1 =	sne.s32 s20, $0x0  }
0xf: {  	s20 =	simm.s32 $0x180;
	s14 =	ssub.s32 s11, s14;
	s17 =	sadd.s32 s10, s1  }
0x10: {  	s10 =	sor.u32 $0x1C02, s30;
	s11 =	smul.u32 $0x50, s15;
	s31 =	sadd.s32 s18, s13  }
0x11: {  	s13 =	sadd.s32 s19, s13;
	s18 =	simm.s32 $0x80;
	s19 =	simm.s32 $0x100  }
0x12: {  	s22 =	sshrl.u32 @!p1 s2, $0x3;
	s12 =	smax.u32 s14, $0x1;
	s14 =	sadd.s32 s31, s16  }
0x13: {  	s15 =	sshrl.u32 s17, $0x3;
	s16 =	simm.s32 $0x2;
	s17 =	sshrl.u32 @!p0 s2, $0x3  }
.LBB2_1:
0x14: {  	[spmem:s15], [sflag:s10] =	dma.local [hbm:s9], $0x2780  }
0x15: {  	_ =	swait.ge [sflag:s16], $0x2780  }
0x16: {  	[sflag:s16] =	ssyncset.done $0x0  }
0x17: {  	s23 =	simm.s32 @!p0 $0x2;
	[sflag:s16] =	ssyncadd.s32 $0xFFFFD880  }
0x18: {  	[spmem:s17], [sflag:s10] =	dma.local @!p0 [hbm:s7], $0x4F0  }
0x19: {  	_ =	swait.ge @!p0 [sflag:s23], $0x4F0  }
0x1a: {  	[sflag:s23] =	ssyncset.done @!p0 $0x0  }
0x1b: {  	[sflag:s23] =	ssyncadd.s32 @!p0 $0xFFFFFB10  }
0x1c: {  	s23 =	simm.s32 $0x0;
	[bflag:$0x0] =	sbarrier.arrive $0xFFFF  }
.LBB2_2:
0x1d: {  	s24 =	sadd.s32 s11, s23  }
0x1e: {  	s24 =	sshll.u32 s24, $0x4  }
0x1f: {  	s26 =	simm.s32 $0x0;
	s25 =	sadd.s32 s5, s24  }
0x20: {  	[tilespmem:s26], [sflag:$0x2] =	stream.linear.gather [hbm4b:s25+s26], $0x80, $0x38;
	[tilespmem:$0x17FF8] =	vst v63  }
0x21: {  	_ =	swait.ge [sflag:s16], $0x80  }
0x22: {  	[sflag:s16] =	ssyncset.done $0x0  }
0x23: {  	s31 =	sadd.s32 s6, s24;
	[sflag:s16] =	ssyncadd.s32 $0xFFFFFF80  }
0x24: {  	[tilespmem:s18], [sflag:$0x2] =	stream.linear.gather [hbm4b:s31+s26], $0x80, $0x38;
	[tilespmem:$0x17FF8] =	vst v63  }
0x25: {  	_ =	swait.ge [sflag:s16], $0x80  }
0x26: {  	[sflag:s16] =	ssyncset.done $0x0  }
0x27: {  	s24 =	sadd.s32 s4, s24;
	[sflag:s16] =	ssyncadd.s32 $0xFFFFFF80  }
0x28: {  	[tilespmem:s19], [sflag:$0x2] =	stream.linear.gather [hbm4b:s24+s26], $0x80, $0x38;
	[tilespmem:$0x17FF8] =	vst v63  }
0x29: {  	_ =	swait.ge [sflag:s16], $0x80  }
0x2a: {  	[sflag:s16] =	ssyncset.done $0x0  }
0x2b: {  	[sflag:s16] =	ssyncadd.s32 $0xFFFFFF80  }
0x2c: {  	[tilespmem:s20], [sflag:$0x1] =	stream.indirect.gather [hbm4b:s13+s18], $0x80, s26, s18, $0xb8;
	[tilespmem:$0x17FF8] =	vst v63  }
0x2d: {  	_ =	swait.ge [sflag:s21], $0x4000  }
0x2e: {  	v0 =	vmov s26;
	[sflag:s21] =	ssyncset.done $0x0  }
0x2f: {  	s24 =	simm.s32 $0x1C0;
	[sflag:s21] =	ssyncadd.s32 $0xFFFFC000  }
0x30: {  	v4 =	vld [tilespmem:s24+$0x30]  }
0x31: {  	v7 =	vld [tilespmem:s24+$0x10]  }
0x32: {  	v5 =	vld [tilespmem:s24+$0xFFFFFFC0]  }
0x33: {  	v1 =	vld.idx.msk [tilespmem:v0+s19+$0x0], $0xffff  }
0x34: {  	v9 =	vld [tilespmem:s24+$0xFFFFFFE0]  }
0x35: {  	v0 =	vld [tilespmem:s24+$0xFFFFFFF0]  }
0x36: {  	v2 =	vld [tilespmem:s24+$0x20]  }
0x37: {  	v3 =	vld [tilespmem:s24+$0xFFFFFFD0]  }
0x38: {  	v8 =	vmul.f32 v4, v1;
	v4 =	vld [tilespmem:s24+$0x0]  }
0x39: {  	v6 =	vmul.f32 v5, v1  }
0x3a: {  	s25 =	simm.s32 $0x1;
	s26 =	simm.s32 $0x1C0;
	v5 =	vmul.f32 v9, v1;
	v7 =	vmul.f32 v7, v1  }
.LBB2_3:
0x3b: {  	p2 =	sne.s32 s25, $0x7F  }
0x3c: {  	v3 =	vmul.f32 v3, v1;
	v2 =	vmul.f32 v2, v1;
	[tilespmem:s24+$0x30] =	vst v8;
	s26 =	sadd.s32 $0x80, s26;
	s28 =	smov.u32 s25;
	s25 =	sadd.s32 $0x1, s25  }
0x3d: {  	[tilespmem:s24+$0xFFFFFFC0] =	vst v6;
	v6 =	vmul.f32 v0, v1;
	v1 =	vmul.f32 v4, v1  }
0x3e: {  	[tilespmem:s24+$0x10] =	vst v7  }
0x3f: {  	v4 =	vmov s28;
	[tilespmem:s24+$0xFFFFFFE0] =	vst v5  }
0x40: {  	v0 =	vld [tilespmem:s26+$0xFFFFFFF0];
	[tilespmem:s24+$0xFFFFFFF0] =	vst v6  }
0x41: {  	v5 =	vld [tilespmem:s26+$0x30];
	[tilespmem:s24+$0x0] =	vst v1  }
0x42: {  	v7 =	vld [tilespmem:s26+$0x10];
	[tilespmem:s24+$0x20] =	vst v2  }
0x43: {  	v6 =	vld [tilespmem:s26+$0xFFFFFFC0];
	[tilespmem:s24+$0xFFFFFFD0] =	vst v3;
	s24 =	smov.u32 s26  }
0x44: {  	v1 =	vld.idx.msk [tilespmem:v4+s19+$0x0], $0xffff  }
0x45: {  	v9 =	vld [tilespmem:s26+$0xFFFFFFE0]  }
0x46: {  	v2 =	vld [tilespmem:s26+$0x20]  }
.Ltmp0:
0x47: {  	v3 =	vld [tilespmem:s26+$0xFFFFFFD0];
	(pc) =	sbr.rel @p2 .LBB2_3-.Ltmp0, $3  }
0x48: {  	v4 =	vld [tilespmem:s26+$0x0];
	_ =	sdelay $0x1  }
0x49: {  	v6 =	vmul.f32 v6, v1;
	v8 =	vmul.f32 v5, v1  }
0x4a: {  	v7 =	vmul.f32 v7, v1;
	v5 =	vmul.f32 v9, v1  }
0x4b: {  	[tilespmem:s24+$0x30] =	vst v8  }
0x4c: {  	[tilespmem:s24+$0xFFFFFFC0] =	vst v6  }
0x4d: {  	v0 =	vmul.f32 v0, v1;
	[tilespmem:s24+$0x10] =	vst v7  }
0x4e: {  	v2 =	vmul.f32 v2, v1;
	[tilespmem:s24+$0xFFFFFFE0] =	vst v5  }
0x4f: {  	v63 =	vmul.f32 v3, v1;
	[tilespmem:s24+$0xFFFFFFF0] =	vst v0  }
0x50: {  	v4 =	vmul.f32 v4, v1;
	[tilespmem:s24+$0x20] =	vst v2  }
0x51: {  	[tilespmem:s24+$0xFFFFFFD0] =	vst v63  }
0x52: {  	[tilespmem:s24+$0x0] =	vst v4  }
0x53: {  	[spmem:s1] =	stream.indirect.scatter.add.f32 [tilespmem:s20], [sflag:$0x2], $0x80, s18, s18, $0xb8;
	[tilespmem:$0x17FF8] =	vst v63  }
0x54: {  	s23 =	sadd.s32 $0x1, s23;
	_ =	swait.ge [sflag:s16], $0x4000  }
0x55: {  	p2 =	sne.s32 s23, $0x50;
	[sflag:s16] =	ssyncset.done $0x0  }
.Ltmp1:
0x56: {  	[sflag:s16] =	ssyncadd.s32 $0xFFFFC000;
	(pc) =	sbr.rel @p2 .LBB2_2-.Ltmp1, $4  }
0x57: {  	[spmem:s2] =	stream.indirect.scatter.add.f32 [tilespmem:s19], [sflag:$0x2], $0x1, s18, s18, $0xb8;
	[tilespmem:$0x17FF8] =	vst v63  }
0x58: {  	_ =	swait.ge [sflag:s16], $0x80  }
0x59: {  	[sflag:s16] =	ssyncset.done $0x0  }
0x5a: {  	[sflag:s16] =	ssyncadd.s32 $0xFFFFFF80  }
0x5b: {  	[bflag:$0x0] =	sbarrier.arrive $0xFFFF  }
0x5c: {  	[hbm:s14], [sflag:s10] =	dma.local [spmem:s15], $0x2780  }
0x5d: {  	s3 =	sadd.s32 $0x1, s3;
	_ =	swait.ge [sflag:s16], $0x2780  }
0x5e: {  	p2 =	sne.s32 s3, s12;
	[sflag:s16] =	ssyncset.done $0x0  }
.Ltmp2:
0x5f: {  	s23 =	simm.s32 @!p1 $0x2;
	[sflag:s16] =	ssyncadd.s32 $0xFFFFD880;
	(pc) =	sbr.rel @p2 .LBB2_1-.Ltmp2, $4  }
0x60: {  	[hbm:s8], [sflag:s10] =	dma.local @!p1 [spmem:s22], $0x4F0  }
0x61: {  	_ =	swait.ge @!p1 [sflag:s23], $0x4F0  }
0x62: {  	[sflag:s23] =	ssyncset.done @!p1 $0x0  }
0x63: {  	[sflag:s23] =	ssyncadd.s32 @!p1 $0xFFFFFB10  }
0x64: {  	_ =	sfence.sel $0x180000  }
0x65: {  	[bflag:$0x0] =	sbarrier.arrive $0xFFFF  }
0x66: {  	_ =	strace $0x9000004A  }
0x67: {  	s0 =	sadd.s32 @!p0 $0x100000, s0;
	[bflag:$0x2] =	sbarrier.arrive $0xFFFF  }
0x68: {  	[sflag:s0] =	ssyncadd.tile.s32 @!p0 $0x1;
	_ =	shalt  }
.Lfunc_end2:
_tile_overlayer_lowered:
.L_overlay_start_2:
0x69: {  	(tag) =	ssettag $0x2  }
0x6a: {  	s0 =	rddreg [dreg:$0x0];
	s2 =	stileid.u32  }
0x6b: {  	s1 =	rddreg [dreg:$0x1];
	p0 =	sne.s32 s2, $0x0  }
0x6c: {  	s3 =	rddreg [dreg:$0x2];
	[bflag:$0x3] =	sbarrier.arrive $0xFFFF;
	s2 =	simm.s32 @!p0 $0x1C02  }
0x6d: {  	[timem:s3], [sflag:s2] =	dma.local @!p0 [hbm:s0], s1  }
0x6e: {  	s0 =	simm.s32 @!p0 $0x2  }
0x6f: {  	_ =	swait.ge @!p0 [sflag:s0], s1  }
0x70: {  	s1 =	ssub.s32 @!p0 $0x0, s1;
	[sflag:s0] =	ssyncset.done @!p0 $0x0  }
0x71: {  	[sflag:s0] =	ssyncadd.s32 @!p0 s1  }
0x72: {  	[bflag:$0x3] =	sbarrier.arrive $0xFFFF  }
0x73: {  	_ =	shalt  }

</sc_bundles>
